<compile_context>
chip_gen: v7x
topology: tpu7x:2x2x1
jax: 0.10.2.dev20260603
libtpu: 0.0.44.dev20260713+nightly
codegen_flags: <defaults>
</compile_context>

<pallas_src>
import jax
import jax.numpy as jnp
from jax import lax
from jax.experimental import pallas as pl
from jax.experimental.pallas import tpu as pltpu
from jax.experimental.pallas import tpu_sc as plsc

_HU = (-1000.0, -75.0, 0.0, 15.0, 25.0, 40.0, 50.0, 200.0, 1000.0)


def _dyn_gather(table, idx):
    return lax.gather(
        table,
        idx[:, None],
        dimension_numbers=lax.GatherDimensionNumbers(
            offset_dims=(), collapsed_slice_dims=(0,), start_index_map=(0,)),
        slice_sizes=(1,),
        mode=lax.GatherScatterMode.PROMISE_IN_BOUNDS,
    )


def _bins8x(xv):
    terms = [(xv >= t).astype(jnp.int32) for t in _HU]
    while len(terms) > 1:
        nxt = [terms[i] + terms[i + 1] for i in range(0, len(terms) - 1, 2)]
        if len(terms) % 2:
            nxt.append(terms[-1])
        terms = nxt
    return terms[0] * 8


def _body(x_hbm, vf_hbm, out_hbm, x_v, vf_v, slab_v, sems):
    b = lax.axis_index("c")
    dp = lax.axis_index("s")
    row0 = b * 64 + dp * 4
    for pd in range(4):
        pltpu.sync_copy(x_hbm.at[row0 + pd], x_v.at[pl.ds(pd * 16384, 16384)])
    pltpu.sync_copy(vf_hbm, vf_v)

    lanes = lax.iota(jnp.int32, 16)
    vd_iota = lanes & 7
    halfsel = (lanes >> 3) & 1
    maps = [[(4 * rr + 2 * k) + halfsel for k in range(2)] for rr in range(4)]

    def slab_body(hp, carry):
        buf = hp & 1

        @pl.when(hp >= 2)
        def _():
            pltpu.make_async_copy(
                slab_v.at[buf], out_hbm.at[b, dp, hp], sems.at[buf]).wait()

        def vreg_body(v, carry2):
            pd = v >> 5
            ph = (v >> 3) & 3
            j = v & 7
            xv = x_v[pl.ds(pd * 16384 + (4 * hp + ph) * 128 + 16 * j, 16)]
            bins8 = _bins8x(xv)
            base = ((j >> 1) * 4096 + pd * 1024 + (j & 1) * 512 + ph * 32)
            for rr in range(4):
                for k in range(2):
                    idx = _dyn_gather(bins8, maps[rr][k]) + vd_iota
                    val = plsc.load_gather(vf_v, [idx])
                    slab_v[buf, pl.ds(base + rr * 128 + 16 * k, 16)] = val
            return carry2

        lax.fori_loop(0, 128, vreg_body, 0, unroll=2)
        pltpu.make_async_copy(
            slab_v.at[buf], out_hbm.at[b, dp, hp], sems.at[buf]).start()
        return carry

    lax.fori_loop(0, 32, slab_body, 0)
    for hp in (30, 31):
        pltpu.make_async_copy(
            slab_v.at[hp & 1], out_hbm.at[b, dp, hp], sems.at[hp & 1]).wait()


def kernel(x, V):
    B, C, D, H, W = x.shape
    x2 = x.reshape(B * D, H * W)
    vf = V.reshape(80)
    mesh = plsc.VectorSubcoreMesh(core_axis_name="c", subcore_axis_name="s")
    run = pl.kernel(
        _body,
        out_type=jax.ShapeDtypeStruct((B, 16, 32, 16384), jnp.float32),
        mesh=mesh,
        compiler_params=pltpu.CompilerParams(needs_layout_passes=False),
        scratch_types=[
            pltpu.VMEM((4 * 16384,), jnp.float32),
            pltpu.VMEM((80,), jnp.float32),
            pltpu.VMEM((2, 16384), jnp.float32),
            pltpu.SemaphoreType.DMA((2,)),
        ],
    )
    out = run(x2, vf)
    out = out.reshape(B, 16, 32, 4, 4, 8, 128)
    out = out.transpose(0, 4, 6, 1, 2, 3, 5)
    return out.reshape(B, 512, D // 4, H // 4, W // 4)

# --- scband reference (transcript-rebuilt; emitter-appended) ---
"""Pipeline reference for scband-learned-class-vectors-51857435132562 (READ-ONLY COPY).

The authoritative reference and input builder live on the scoring server;
editing this copy changes nothing except your own understanding.
"""

import jax, jax.numpy as jnp
import numpy as np

HU = np.array([-1000, -75, 0, 15, 25, 40, 50, 200, 1000], dtype=np.float32)
N_INT = len(HU) + 1  # 10
PD = PH = PW = 4
VD = 8


def setup_inputs(seed: int = 0) -> dict:
    key = jax.random.key(seed)
    k1, k2 = jax.random.split(key)
    # scale randn by 400 so HU values span all intensity intervals
    x = jax.random.normal(k1, (2, 1, 64, 128, 128), dtype=jnp.float32) * 400.0
    # learnable class vectors (ParameterList of 10 vectors of size vector_dim), stacked
    V = jax.random.normal(k2, (N_INT, VD), dtype=jnp.float32)
    return {"x": x, "V": V}


def _create_voxel_vectors(xflat, V):
    intervals = jnp.asarray(HU)
    # vectors_cls[i] is a constant vector filled with -(i+1)*10000 (non-trainable buffer)
    cls_vals = jnp.array([-(i + 1) * 10000.0 for i in range(N_INT)], dtype=jnp.float32)
    v = jnp.where(xflat < intervals[0], jnp.full((VD,), cls_vals[0]), xflat)
    for i in range(N_INT - 2):
        v = jnp.where((v >= intervals[i]) & (v < intervals[i + 1]),
                      jnp.full((VD,), cls_vals[i + 1]), v)
    v = jnp.where(v >= intervals[-1], jnp.full((VD,), cls_vals[-1]), v)
    for i in range(N_INT):
        v = jnp.where(v == cls_vals[i], V[i], v)
    return v


def reference(x, V):
    B, C, D, H, W = x.shape
    xflat = x.reshape(-1, 1)
    v = _create_voxel_vectors(xflat, V)
    v = v.reshape(B, C, D, H, W, VD)[:, 0]  # squeeze channel
    nD, nH, nW = D // PD, H // PH, W // PW
    # unfold into non-overlapping 3D patches, matching torch unfold + permute + flatten order
    v = v.reshape(B, nD, PD, nH, PH, nW, PW, VD)
    v = v.transpose(0, 1, 3, 5, 2, 4, 6, 7)  # [B, nD, nH, nW, Pd, Ph, Pw, VD]
    v = v.reshape(B, nD, nH, nW, PD * PH * PW * VD)
    return v.transpose(0, 4, 1, 2, 3)  # [B, out_dim, nD, nH, nW]

if __name__ == "__main__":
    import jax
    _d = setup_inputs()
    print(jax.jit(kernel)(*tuple(_d.values())))

</pallas_src>

<mosaic_0001>
#map = affine_map<(d0, d1) -> (0, 0)>
#map1 = affine_map<(d0, d1) -> (0)>
#map2 = affine_map<(d0, d1) -> (0, 0, 0, 0)>
module attributes {stable_mosaic.version = 14 : i64} {
  func.func @_body(%arg0: i32, %arg1: i32, %arg2: memref<128x16384xf32, #tpu.memory_space<hbm>>, %arg3: memref<80xf32, #tpu.memory_space<hbm>>, %arg4: memref<2x16x32x16384xf32, #tpu.memory_space<hbm>>, %arg5: memref<65536xf32, #tpu.memory_space<vmem>>, %arg6: memref<80xf32, #tpu.memory_space<vmem>>, %arg7: memref<2x16384xf32, #tpu.memory_space<vmem>>, %arg8: memref<2x!tpu.dma_semaphore, #tpu.memory_space<semaphore_mem>>) attributes {dimension_semantics = [#tpu.dimension_semantics<core_parallel>, #tpu.dimension_semantics<subcore_parallel>], iteration_bounds = array<i64: 2, 16>, scalar_prefetch = 0 : i64, scratch_operands = 4 : i64, tpu.core_type = #tpu.core_type<sc_vector_subcore>, window_params = [{transform_indices = #map}, {transform_indices = #map1}, {transform_indices = #map2}]} {
    %mul3A = arith.constant 64 : i32
    %mul3A_0 = arith.muli %arg0, %mul3A : i32
    %mul3A_1 = arith.constant 4 : i32
    %mul3A_2 = arith.muli %arg1, %mul3A_1 : i32
    %add3A = arith.addi %mul3A_0, %mul3A_2 : i32
    %add3A_3 = arith.constant 0 : i32
    %add3A_4 = arith.addi %add3A, %add3A_3 : i32
    "tpu.region"() ({
      %run_scoped3A = tpu.sem_alloc : memref<!tpu.dma_semaphore, #tpu.memory_space<semaphore_mem>>
      %dma_start3A = arith.constant 0 : i32
      %dma_start3A_80 = tpu.memref_slice %arg5[%dma_start3A] : memref<65536xf32, #tpu.memory_space<vmem>> -> memref<16384xf32, #tpu.memory_space<vmem>>
      %dma_start3A_81 = arith.constant 0 : i32
      %dma_start3A_82 = tpu.memref_slice %arg2[%add3A_4, %dma_start3A_81] : memref<128x16384xf32, #tpu.memory_space<hbm>> -> memref<1x16384xf32, #tpu.memory_space<hbm>>
      %dma_start3A_83 = tpu.memref_squeeze %dma_start3A_82 : memref<1x16384xf32, #tpu.memory_space<hbm>> -> memref<16384xf32, #tpu.memory_space<hbm>>
      %dma_start3A_84 = arith.constant 0 : i32
      %dma_start3A_85 = tpu.memref_slice %arg5[%dma_start3A_84] : memref<65536xf32, #tpu.memory_space<vmem>> -> memref<16384xf32, #tpu.memory_space<vmem>>
      %dma_start3A_86 = arith.constant 0 : i32
      %dma_start3A_87 = tpu.memref_slice %arg2[%add3A_4, %dma_start3A_86] : memref<128x16384xf32, #tpu.memory_space<hbm>> -> memref<1x16384xf32, #tpu.memory_space<hbm>>
      %dma_start3A_88 = tpu.memref_squeeze %dma_start3A_87 : memref<1x16384xf32, #tpu.memory_space<hbm>> -> memref<16384xf32, #tpu.memory_space<hbm>>
      tpu.enqueue_dma source(%dma_start3A_88 : memref<16384xf32, #tpu.memory_space<hbm>>) target(%dma_start3A_85 : memref<16384xf32, #tpu.memory_space<vmem>>) target_semaphore(%run_scoped3A : memref<!tpu.dma_semaphore, #tpu.memory_space<semaphore_mem>>)
      %dma_wait3A_89 = arith.constant 0 : i32
      %dma_wait3A_90 = tpu.memref_slice %arg5[%dma_wait3A_89] : memref<65536xf32, #tpu.memory_space<vmem>> -> memref<16384xf32, #tpu.memory_space<vmem>>
      %dma_wait3A_91 = arith.constant 0 : i32
      %dma_wait3A_92 = tpu.memref_slice %arg2[%add3A_4, %dma_wait3A_91] : memref<128x16384xf32, #tpu.memory_space<hbm>> -> memref<1x16384xf32, #tpu.memory_space<hbm>>
      %dma_wait3A_93 = tpu.memref_squeeze %dma_wait3A_92 : memref<1x16384xf32, #tpu.memory_space<hbm>> -> memref<16384xf32, #tpu.memory_space<hbm>>
      %dma_wait3A_94 = arith.constant 0 : i32
      %dma_wait3A_95 = tpu.memref_slice %arg5[%dma_wait3A_94] : memref<65536xf32, #tpu.memory_space<vmem>> -> memref<16384xf32, #tpu.memory_space<vmem>>
      %dma_wait3A_96 = arith.constant 0 : i32
      %dma_wait3A_97 = tpu.memref_slice %arg2[%add3A_4, %dma_wait3A_96] : memref<128x16384xf32, #tpu.memory_space<hbm>> -> memref<1x16384xf32, #tpu.memory_space<hbm>>
      %dma_wait3A_98 = tpu.memref_squeeze %dma_wait3A_97 : memref<1x16384xf32, #tpu.memory_space<hbm>> -> memref<16384xf32, #tpu.memory_space<hbm>>
      tpu.wait_dma2 semaphore(%run_scoped3A : memref<!tpu.dma_semaphore, #tpu.memory_space<semaphore_mem>>) src(%dma_wait3A_98 : memref<16384xf32, #tpu.memory_space<hbm>>) dst(%dma_wait3A_95 : memref<16384xf32, #tpu.memory_space<vmem>>)
      tpu.yield
    }) : () -> ()
    %add3A_5 = arith.constant 1 : i32
    %add3A_6 = arith.addi %add3A, %add3A_5 : i32
    "tpu.region"() ({
      %run_scoped3A = tpu.sem_alloc : memref<!tpu.dma_semaphore, #tpu.memory_space<semaphore_mem>>
      %dma_start3A = arith.constant 16384 : i32
      %dma_start3A_80 = tpu.memref_slice %arg5[%dma_start3A] : memref<65536xf32, #tpu.memory_space<vmem>> -> memref<16384xf32, #tpu.memory_space<vmem>>
      %dma_start3A_81 = arith.constant 0 : i32
      %dma_start3A_82 = tpu.memref_slice %arg2[%add3A_6, %dma_start3A_81] : memref<128x16384xf32, #tpu.memory_space<hbm>> -> memref<1x16384xf32, #tpu.memory_space<hbm>>
      %dma_start3A_83 = tpu.memref_squeeze %dma_start3A_82 : memref<1x16384xf32, #tpu.memory_space<hbm>> -> memref<16384xf32, #tpu.memory_space<hbm>>
      %dma_start3A_84 = arith.constant 16384 : i32
      %dma_start3A_85 = tpu.memref_slice %arg5[%dma_start3A_84] : memref<65536xf32, #tpu.memory_space<vmem>> -> memref<16384xf32, #tpu.memory_space<vmem>>
      %dma_start3A_86 = arith.constant 0 : i32
      %dma_start3A_87 = tpu.memref_slice %arg2[%add3A_6, %dma_start3A_86] : memref<128x16384xf32, #tpu.memory_space<hbm>> -> memref<1x16384xf32, #tpu.memory_space<hbm>>
      %dma_start3A_88 = tpu.memref_squeeze %dma_start3A_87 : memref<1x16384xf32, #tpu.memory_space<hbm>> -> memref<16384xf32, #tpu.memory_space<hbm>>
      tpu.enqueue_dma source(%dma_start3A_88 : memref<16384xf32, #tpu.memory_space<hbm>>) target(%dma_start3A_85 : memref<16384xf32, #tpu.memory_space<vmem>>) target_semaphore(%run_scoped3A : memref<!tpu.dma_semaphore, #tpu.memory_space<semaphore_mem>>)
      %dma_wait3A_89 = arith.constant 16384 : i32
      %dma_wait3A_90 = tpu.memref_slice %arg5[%dma_wait3A_89] : memref<65536xf32, #tpu.memory_space<vmem>> -> memref<16384xf32, #tpu.memory_space<vmem>>
      %dma_wait3A_91 = arith.constant 0 : i32
      %dma_wait3A_92 = tpu.memref_slice %arg2[%add3A_6, %dma_wait3A_91] : memref<128x16384xf32, #tpu.memory_space<hbm>> -> memref<1x16384xf32, #tpu.memory_space<hbm>>
      %dma_wait3A_93 = tpu.memref_squeeze %dma_wait3A_92 : memref<1x16384xf32, #tpu.memory_space<hbm>> -> memref<16384xf32, #tpu.memory_space<hbm>>
      %dma_wait3A_94 = arith.constant 16384 : i32
      %dma_wait3A_95 = tpu.memref_slice %arg5[%dma_wait3A_94] : memref<65536xf32, #tpu.memory_space<vmem>> -> memref<16384xf32, #tpu.memory_space<vmem>>
      %dma_wait3A_96 = arith.constant 0 : i32
      %dma_wait3A_97 = tpu.memref_slice %arg2[%add3A_6, %dma_wait3A_96] : memref<128x16384xf32, #tpu.memory_space<hbm>> -> memref<1x16384xf32, #tpu.memory_space<hbm>>
      %dma_wait3A_98 = tpu.memref_squeeze %dma_wait3A_97 : memref<1x16384xf32, #tpu.memory_space<hbm>> -> memref<16384xf32, #tpu.memory_space<hbm>>
      tpu.wait_dma2 semaphore(%run_scoped3A : memref<!tpu.dma_semaphore, #tpu.memory_space<semaphore_mem>>) src(%dma_wait3A_98 : memref<16384xf32, #tpu.memory_space<hbm>>) dst(%dma_wait3A_95 : memref<16384xf32, #tpu.memory_space<vmem>>)
      tpu.yield
    }) : () -> ()
    %add3A_7 = arith.constant 2 : i32
    %add3A_8 = arith.addi %add3A, %add3A_7 : i32
    "tpu.region"() ({
      %run_scoped3A = tpu.sem_alloc : memref<!tpu.dma_semaphore, #tpu.memory_space<semaphore_mem>>
      %dma_start3A = arith.constant 32768 : i32
      %dma_start3A_80 = tpu.memref_slice %arg5[%dma_start3A] : memref<65536xf32, #tpu.memory_space<vmem>> -> memref<16384xf32, #tpu.memory_space<vmem>>
      %dma_start3A_81 = arith.constant 0 : i32
      %dma_start3A_82 = tpu.memref_slice %arg2[%add3A_8, %dma_start3A_81] : memref<128x16384xf32, #tpu.memory_space<hbm>> -> memref<1x16384xf32, #tpu.memory_space<hbm>>
      %dma_start3A_83 = tpu.memref_squeeze %dma_start3A_82 : memref<1x16384xf32, #tpu.memory_space<hbm>> -> memref<16384xf32, #tpu.memory_space<hbm>>
      %dma_start3A_84 = arith.constant 32768 : i32
      %dma_start3A_85 = tpu.memref_slice %arg5[%dma_start3A_84] : memref<65536xf32, #tpu.memory_space<vmem>> -> memref<16384xf32, #tpu.memory_space<vmem>>
      %dma_start3A_86 = arith.constant 0 : i32
      %dma_start3A_87 = tpu.memref_slice %arg2[%add3A_8, %dma_start3A_86] : memref<128x16384xf32, #tpu.memory_space<hbm>> -> memref<1x16384xf32, #tpu.memory_space<hbm>>
      %dma_start3A_88 = tpu.memref_squeeze %dma_start3A_87 : memref<1x16384xf32, #tpu.memory_space<hbm>> -> memref<16384xf32, #tpu.memory_space<hbm>>
      tpu.enqueue_dma source(%dma_start3A_88 : memref<16384xf32, #tpu.memory_space<hbm>>) target(%dma_start3A_85 : memref<16384xf32, #tpu.memory_space<vmem>>) target_semaphore(%run_scoped3A : memref<!tpu.dma_semaphore, #tpu.memory_space<semaphore_mem>>)
      %dma_wait3A_89 = arith.constant 32768 : i32
      %dma_wait3A_90 = tpu.memref_slice %arg5[%dma_wait3A_89] : memref<65536xf32, #tpu.memory_space<vmem>> -> memref<16384xf32, #tpu.memory_space<vmem>>
      %dma_wait3A_91 = arith.constant 0 : i32
      %dma_wait3A_92 = tpu.memref_slice %arg2[%add3A_8, %dma_wait3A_91] : memref<128x16384xf32, #tpu.memory_space<hbm>> -> memref<1x16384xf32, #tpu.memory_space<hbm>>
      %dma_wait3A_93 = tpu.memref_squeeze %dma_wait3A_92 : memref<1x16384xf32, #tpu.memory_space<hbm>> -> memref<16384xf32, #tpu.memory_space<hbm>>
      %dma_wait3A_94 = arith.constant 32768 : i32
      %dma_wait3A_95 = tpu.memref_slice %arg5[%dma_wait3A_94] : memref<65536xf32, #tpu.memory_space<vmem>> -> memref<16384xf32, #tpu.memory_space<vmem>>
      %dma_wait3A_96 = arith.constant 0 : i32
      %dma_wait3A_97 = tpu.memref_slice %arg2[%add3A_8, %dma_wait3A_96] : memref<128x16384xf32, #tpu.memory_space<hbm>> -> memref<1x16384xf32, #tpu.memory_space<hbm>>
      %dma_wait3A_98 = tpu.memref_squeeze %dma_wait3A_97 : memref<1x16384xf32, #tpu.memory_space<hbm>> -> memref<16384xf32, #tpu.memory_space<hbm>>
      tpu.wait_dma2 semaphore(%run_scoped3A : memref<!tpu.dma_semaphore, #tpu.memory_space<semaphore_mem>>) src(%dma_wait3A_98 : memref<16384xf32, #tpu.memory_space<hbm>>) dst(%dma_wait3A_95 : memref<16384xf32, #tpu.memory_space<vmem>>)
      tpu.yield
    }) : () -> ()
    %add3A_9 = arith.constant 3 : i32
    %add3A_10 = arith.addi %add3A, %add3A_9 : i32
    "tpu.region"() ({
      %run_scoped3A = tpu.sem_alloc : memref<!tpu.dma_semaphore, #tpu.memory_space<semaphore_mem>>
      %dma_start3A = arith.constant 49152 : i32
      %dma_start3A_80 = tpu.memref_slice %arg5[%dma_start3A] : memref<65536xf32, #tpu.memory_space<vmem>> -> memref<16384xf32, #tpu.memory_space<vmem>>
      %dma_start3A_81 = arith.constant 0 : i32
      %dma_start3A_82 = tpu.memref_slice %arg2[%add3A_10, %dma_start3A_81] : memref<128x16384xf32, #tpu.memory_space<hbm>> -> memref<1x16384xf32, #tpu.memory_space<hbm>>
      %dma_start3A_83 = tpu.memref_squeeze %dma_start3A_82 : memref<1x16384xf32, #tpu.memory_space<hbm>> -> memref<16384xf32, #tpu.memory_space<hbm>>
      %dma_start3A_84 = arith.constant 49152 : i32
      %dma_start3A_85 = tpu.memref_slice %arg5[%dma_start3A_84] : memref<65536xf32, #tpu.memory_space<vmem>> -> memref<16384xf32, #tpu.memory_space<vmem>>
      %dma_start3A_86 = arith.constant 0 : i32
      %dma_start3A_87 = tpu.memref_slice %arg2[%add3A_10, %dma_start3A_86] : memref<128x16384xf32, #tpu.memory_space<hbm>> -> memref<1x16384xf32, #tpu.memory_space<hbm>>
      %dma_start3A_88 = tpu.memref_squeeze %dma_start3A_87 : memref<1x16384xf32, #tpu.memory_space<hbm>> -> memref<16384xf32, #tpu.memory_space<hbm>>
      tpu.enqueue_dma source(%dma_start3A_88 : memref<16384xf32, #tpu.memory_space<hbm>>) target(%dma_start3A_85 : memref<16384xf32, #tpu.memory_space<vmem>>) target_semaphore(%run_scoped3A : memref<!tpu.dma_semaphore, #tpu.memory_space<semaphore_mem>>)
      %dma_wait3A_89 = arith.constant 49152 : i32
      %dma_wait3A_90 = tpu.memref_slice %arg5[%dma_wait3A_89] : memref<65536xf32, #tpu.memory_space<vmem>> -> memref<16384xf32, #tpu.memory_space<vmem>>
      %dma_wait3A_91 = arith.constant 0 : i32
      %dma_wait3A_92 = tpu.memref_slice %arg2[%add3A_10, %dma_wait3A_91] : memref<128x16384xf32, #tpu.memory_space<hbm>> -> memref<1x16384xf32, #tpu.memory_space<hbm>>
      %dma_wait3A_93 = tpu.memref_squeeze %dma_wait3A_92 : memref<1x16384xf32, #tpu.memory_space<hbm>> -> memref<16384xf32, #tpu.memory_space<hbm>>
      %dma_wait3A_94 = arith.constant 49152 : i32
      %dma_wait3A_95 = tpu.memref_slice %arg5[%dma_wait3A_94] : memref<65536xf32, #tpu.memory_space<vmem>> -> memref<16384xf32, #tpu.memory_space<vmem>>
      %dma_wait3A_96 = arith.constant 0 : i32
      %dma_wait3A_97 = tpu.memref_slice %arg2[%add3A_10, %dma_wait3A_96] : memref<128x16384xf32, #tpu.memory_space<hbm>> -> memref<1x16384xf32, #tpu.memory_space<hbm>>
      %dma_wait3A_98 = tpu.memref_squeeze %dma_wait3A_97 : memref<1x16384xf32, #tpu.memory_space<hbm>> -> memref<16384xf32, #tpu.memory_space<hbm>>
      tpu.wait_dma2 semaphore(%run_scoped3A : memref<!tpu.dma_semaphore, #tpu.memory_space<semaphore_mem>>) src(%dma_wait3A_98 : memref<16384xf32, #tpu.memory_space<hbm>>) dst(%dma_wait3A_95 : memref<16384xf32, #tpu.memory_space<vmem>>)
      tpu.yield
    }) : () -> ()
    "tpu.region"() ({
      %run_scoped3A = tpu.sem_alloc : memref<!tpu.dma_semaphore, #tpu.memory_space<semaphore_mem>>
      tpu.enqueue_dma source(%arg3 : memref<80xf32, #tpu.memory_space<hbm>>) target(%arg6 : memref<80xf32, #tpu.memory_space<vmem>>) target_semaphore(%run_scoped3A : memref<!tpu.dma_semaphore, #tpu.memory_space<semaphore_mem>>)
      tpu.wait_dma2 semaphore(%run_scoped3A : memref<!tpu.dma_semaphore, #tpu.memory_space<semaphore_mem>>) src(%arg3 : memref<80xf32, #tpu.memory_space<hbm>>) dst(%arg6 : memref<80xf32, #tpu.memory_space<vmem>>)
      tpu.yield
    }) : () -> ()
    %iota3A = tpu.iota {dimensions = array<i32: 0>} : vector<16xi32>
    %and3A = arith.constant 7 : i32
    %and3A_11 = vector.broadcast %and3A : i32 to vector<16xi32>
    %and3A_12 = arith.andi %iota3A, %and3A_11 : vector<16xi32>
    %shift_right_arithmetic3A = arith.constant 3 : i32
    %shift_right_arithmetic3A_13 = vector.broadcast %shift_right_arithmetic3A : i32 to vector<16xi32>
    %shift_right_arithmetic3A_14 = arith.shrsi %iota3A, %shift_right_arithmetic3A_13 : vector<16xi32>
    %and3A_15 = arith.constant 1 : i32
    %and3A_16 = vector.broadcast %and3A_15 : i32 to vector<16xi32>
    %and3A_17 = arith.andi %shift_right_arithmetic3A_14, %and3A_16 : vector<16xi32>
    %add3A_18 = arith.constant 0 : i32
    %add3A_19 = vector.broadcast %add3A_18 : i32 to vector<16xi32>
    %add3A_20 = arith.addi %add3A_19, %and3A_17 : vector<16xi32>
    %add3A_21 = arith.constant 2 : i32
    %add3A_22 = vector.broadcast %add3A_21 : i32 to vector<16xi32>
    %add3A_23 = arith.addi %add3A_22, %and3A_17 : vector<16xi32>
    %add3A_24 = arith.constant 4 : i32
    %add3A_25 = vector.broadcast %add3A_24 : i32 to vector<16xi32>
    %add3A_26 = arith.addi %add3A_25, %and3A_17 : vector<16xi32>
    %add3A_27 = arith.constant 6 : i32
    %add3A_28 = vector.broadcast %add3A_27 : i32 to vector<16xi32>
    %add3A_29 = arith.addi %add3A_28, %and3A_17 : vector<16xi32>
    %add3A_30 = arith.constant 8 : i32
    %add3A_31 = vector.broadcast %add3A_30 : i32 to vector<16xi32>
    %add3A_32 = arith.addi %add3A_31, %and3A_17 : vector<16xi32>
    %add3A_33 = arith.constant 10 : i32
    %add3A_34 = vector.broadcast %add3A_33 : i32 to vector<16xi32>
    %add3A_35 = arith.addi %add3A_34, %and3A_17 : vector<16xi32>
    %add3A_36 = arith.constant 12 : i32
    %add3A_37 = vector.broadcast %add3A_36 : i32 to vector<16xi32>
    %add3A_38 = arith.addi %add3A_37, %and3A_17 : vector<16xi32>
    %add3A_39 = arith.constant 14 : i32
    %add3A_40 = vector.broadcast %add3A_39 : i32 to vector<16xi32>
    %add3A_41 = arith.addi %add3A_40, %and3A_17 : vector<16xi32>
    %scan3A = arith.constant 0 : i32
    %scan3A_42 = arith.constant 0 : i32
    %scan3A_43 = arith.constant 32 : i32
    %scan3A_44 = arith.addi %scan3A_42, %scan3A_43 : i32
    %scan3A_45 = arith.constant 1 : i32
    scf.for %scan3A_80 = %scan3A_42 to %scan3A_44 step %scan3A_45  : i32 {
      %and3A_81 = arith.constant 1 : i32
      %and3A_82 = arith.andi %scan3A_80, %and3A_81 : i32
      %ge3A = arith.constant 2 : i32
      %ge3A_83 = arith.cmpi sge, %scan3A_80, %ge3A : i32
      %convert_element_type3A = arith.extui %ge3A_83 : i1 to i32
      %cond3A = arith.constant 0 : i32
      %cond3A_84 = arith.cmpi ne, %convert_element_type3A, %cond3A : i32
      scf.if %cond3A_84 {
        %dma_wait3A_104 = arith.constant 0 : i32
        %dma_wait3A_105 = tpu.memref_slice %arg7[%and3A_82, %dma_wait3A_104] : memref<2x16384xf32, #tpu.memory_space<vmem>> -> memref<1x16384xf32, #tpu.memory_space<vmem>>
        %dma_wait3A_106 = tpu.memref_squeeze %dma_wait3A_105 : memref<1x16384xf32, #tpu.memory_space<vmem>> -> memref<16384xf32, #tpu.memory_space<vmem>>
        %dma_wait3A_107 = arith.constant 0 : i32
        %dma_wait3A_108 = tpu.memref_slice %arg4[%arg0, %arg1, %scan3A_80, %dma_wait3A_107] : memref<2x16x32x16384xf32, #tpu.memory_space<hbm>> -> memref<1x1x1x16384xf32, #tpu.memory_space<hbm>>
        %dma_wait3A_109 = tpu.memref_squeeze %dma_wait3A_108 : memref<1x1x1x16384xf32, #tpu.memory_space<hbm>> -> memref<16384xf32, #tpu.memory_space<hbm>>
        %dma_wait3A_110 = tpu.memref_slice %arg8[%and3A_82] : memref<2x!tpu.dma_semaphore, #tpu.memory_space<semaphore_mem>> -> memref<1x!tpu.dma_semaphore, #tpu.memory_space<semaphore_mem>>
        %dma_wait3A_111 = tpu.memref_squeeze %dma_wait3A_110 : memref<1x!tpu.dma_semaphore, #tpu.memory_space<semaphore_mem>> -> memref<!tpu.dma_semaphore, #tpu.memory_space<semaphore_mem>>
        %dma_wait3A_112 = arith.constant 0 : i32
        %dma_wait3A_113 = tpu.memref_slice %arg4[%arg0, %arg1, %scan3A_80, %dma_wait3A_112] : memref<2x16x32x16384xf32, #tpu.memory_space<hbm>> -> memref<1x1x1x16384xf32, #tpu.memory_space<hbm>>
        %dma_wait3A_114 = tpu.memref_squeeze %dma_wait3A_113 : memref<1x1x1x16384xf32, #tpu.memory_space<hbm>> -> memref<16384xf32, #tpu.memory_space<hbm>>
        %dma_wait3A_115 = arith.constant 0 : i32
        %dma_wait3A_116 = tpu.memref_slice %arg7[%and3A_82, %dma_wait3A_115] : memref<2x16384xf32, #tpu.memory_space<vmem>> -> memref<1x16384xf32, #tpu.memory_space<vmem>>
        %dma_wait3A_117 = tpu.memref_squeeze %dma_wait3A_116 : memref<1x16384xf32, #tpu.memory_space<vmem>> -> memref<16384xf32, #tpu.memory_space<vmem>>
        tpu.wait_dma2 semaphore(%dma_wait3A_111 : memref<!tpu.dma_semaphore, #tpu.memory_space<semaphore_mem>>) src(%dma_wait3A_117 : memref<16384xf32, #tpu.memory_space<vmem>>) dst(%dma_wait3A_114 : memref<16384xf32, #tpu.memory_space<hbm>>)
      } else {
      }
      %scan3A_85 = arith.constant 0 : i32
      %scan3A_86 = arith.constant 0 : i32
      %scan3A_87 = arith.constant 128 : i32
      %scan3A_88 = arith.addi %scan3A_86, %scan3A_87 : i32
      %scan3A_89 = arith.constant 2 : i32
      scf.for %scan3A_104 = %scan3A_86 to %scan3A_88 step %scan3A_89  : i32 {
        %shift_right_arithmetic3A_105 = arith.constant 5 : i32
        %shift_right_arithmetic3A_106 = arith.shrsi %scan3A_104, %shift_right_arithmetic3A_105 : i32
        %shift_right_arithmetic3A_107 = arith.constant 3 : i32
        %shift_right_arithmetic3A_108 = arith.shrsi %scan3A_104, %shift_right_arithmetic3A_107 : i32
        %and3A_109 = arith.constant 3 : i32
        %and3A_110 = arith.andi %shift_right_arithmetic3A_108, %and3A_109 : i32
        %and3A_111 = arith.constant 7 : i32
        %and3A_112 = arith.andi %scan3A_104, %and3A_111 : i32
        %mul3A_113 = arith.constant 16384 : i32
        %mul3A_114 = arith.muli %shift_right_arithmetic3A_106, %mul3A_113 : i32
        %mul3A_115 = arith.constant 4 : i32
        %mul3A_116 = arith.muli %mul3A_115, %scan3A_80 : i32
        %add3A_117 = arith.addi %mul3A_116, %and3A_110 : i32
        %mul3A_118 = arith.constant 128 : i32
        %mul3A_119 = arith.muli %add3A_117, %mul3A_118 : i32
        %add3A_120 = arith.addi %mul3A_114, %mul3A_119 : i32
        %mul3A_121 = arith.constant 16 : i32
        %mul3A_122 = arith.muli %mul3A_121, %and3A_112 : i32
        %add3A_123 = arith.addi %add3A_120, %mul3A_122 : i32
        %get3A = arith.index_cast %add3A_123 : i32 to index
        %get3A_124 = tpu.vector_load %arg5[%get3A] {strides = array<i32>} : memref<65536xf32, #tpu.memory_space<vmem>>, vector<16xf32>,
        %ge3A_125 = arith.constant -1.000000e+03 : f32
        %ge3A_126 = vector.broadcast %ge3A_125 : f32 to vector<16xf32>
        %ge3A_127 = arith.cmpf oge, %get3A_124, %ge3A_126 : vector<16xf32>
        %convert_element_type3A_128 = arith.extui %ge3A_127 : vector<16xi1> to vector<16xi32>
        %ge3A_129 = arith.constant -7.500000e+01 : f32
        %ge3A_130 = vector.broadcast %ge3A_129 : f32 to vector<16xf32>
        %ge3A_131 = arith.cmpf oge, %get3A_124, %ge3A_130 : vector<16xf32>
        %convert_element_type3A_132 = arith.extui %ge3A_131 : vector<16xi1> to vector<16xi32>
        %ge3A_133 = arith.constant 0.000000e+00 : f32
        %ge3A_134 = vector.broadcast %ge3A_133 : f32 to vector<16xf32>
        %ge3A_135 = arith.cmpf oge, %get3A_124, %ge3A_134 : vector<16xf32>
        %convert_element_type3A_136 = arith.extui %ge3A_135 : vector<16xi1> to vector<16xi32>
        %ge3A_137 = arith.constant 1.500000e+01 : f32
        %ge3A_138 = vector.broadcast %ge3A_137 : f32 to vector<16xf32>
        %ge3A_139 = arith.cmpf oge, %get3A_124, %ge3A_138 : vector<16xf32>
        %convert_element_type3A_140 = arith.extui %ge3A_139 : vector<16xi1> to vector<16xi32>
        %ge3A_141 = arith.constant 2.500000e+01 : f32
        %ge3A_142 = vector.broadcast %ge3A_141 : f32 to vector<16xf32>
        %ge3A_143 = arith.cmpf oge, %get3A_124, %ge3A_142 : vector<16xf32>
        %convert_element_type3A_144 = arith.extui %ge3A_143 : vector<16xi1> to vector<16xi32>
        %ge3A_145 = arith.constant 4.000000e+01 : f32
        %ge3A_146 = vector.broadcast %ge3A_145 : f32 to vector<16xf32>
        %ge3A_147 = arith.cmpf oge, %get3A_124, %ge3A_146 : vector<16xf32>
        %convert_element_type3A_148 = arith.extui %ge3A_147 : vector<16xi1> to vector<16xi32>
        %ge3A_149 = arith.constant 5.000000e+01 : f32
        %ge3A_150 = vector.broadcast %ge3A_149 : f32 to vector<16xf32>
        %ge3A_151 = arith.cmpf oge, %get3A_124, %ge3A_150 : vector<16xf32>
        %convert_element_type3A_152 = arith.extui %ge3A_151 : vector<16xi1> to vector<16xi32>
        %ge3A_153 = arith.constant 2.000000e+02 : f32
        %ge3A_154 = vector.broadcast %ge3A_153 : f32 to vector<16xf32>
        %ge3A_155 = arith.cmpf oge, %get3A_124, %ge3A_154 : vector<16xf32>
        %convert_element_type3A_156 = arith.extui %ge3A_155 : vector<16xi1> to vector<16xi32>
        %ge3A_157 = arith.constant 1.000000e+03 : f32
        %ge3A_158 = vector.broadcast %ge3A_157 : f32 to vector<16xf32>
        %ge3A_159 = arith.cmpf oge, %get3A_124, %ge3A_158 : vector<16xf32>
        %convert_element_type3A_160 = arith.extui %ge3A_159 : vector<16xi1> to vector<16xi32>
        %add3A_161 = arith.addi %convert_element_type3A_128, %convert_element_type3A_132 : vector<16xi32>
        %add3A_162 = arith.addi %convert_element_type3A_136, %convert_element_type3A_140 : vector<16xi32>
        %add3A_163 = arith.addi %convert_element_type3A_144, %convert_element_type3A_148 : vector<16xi32>
        %add3A_164 = arith.addi %convert_element_type3A_152, %convert_element_type3A_156 : vector<16xi32>
        %add3A_165 = arith.addi %add3A_161, %add3A_162 : vector<16xi32>
        %add3A_166 = arith.addi %add3A_163, %add3A_164 : vector<16xi32>
        %add3A_167 = arith.addi %add3A_165, %add3A_166 : vector<16xi32>
        %add3A_168 = arith.addi %add3A_167, %convert_element_type3A_160 : vector<16xi32>
        %mul3A_169 = arith.constant 8 : i32
        %mul3A_170 = vector.broadcast %mul3A_169 : i32 to vector<16xi32>
        %mul3A_171 = arith.muli %add3A_168, %mul3A_170 : vector<16xi32>
        %shift_right_arithmetic3A_172 = arith.constant 1 : i32
        %shift_right_arithmetic3A_173 = arith.shrsi %and3A_112, %shift_right_arithmetic3A_172 : i32
        %mul3A_174 = arith.constant 4096 : i32
        %mul3A_175 = arith.muli %shift_right_arithmetic3A_173, %mul3A_174 : i32
        %mul3A_176 = arith.constant 1024 : i32
        %mul3A_177 = arith.muli %shift_right_arithmetic3A_106, %mul3A_176 : i32
        %add3A_178 = arith.addi %mul3A_175, %mul3A_177 : i32
        %and3A_179 = arith.constant 1 : i32
        %and3A_180 = arith.andi %and3A_112, %and3A_179 : i32
        %mul3A_181 = arith.constant 512 : i32
        %mul3A_182 = arith.muli %and3A_180, %mul3A_181 : i32
        %add3A_183 = arith.addi %add3A_178, %mul3A_182 : i32
        %mul3A_184 = arith.constant 32 : i32
        %mul3A_185 = arith.muli %and3A_110, %mul3A_184 : i32
        %add3A_186 = arith.addi %add3A_183, %mul3A_185 : i32
        %broadcast_in_dim3A = vector.shape_cast %add3A_20 : vector<16xi32> to vector<16x1xi32>
        %gather3A = vector.shape_cast %broadcast_in_dim3A : vector<16x1xi32> to vector<16xi32>
        %gather3A_187 = tpu.dynamic_gather %mul3A_171[%gather3A] in [0] : vector<16xi32>, vector<16xi32> -> vector<16xi32>
        %add3A_188 = arith.addi %gather3A_187, %and3A_12 : vector<16xi32>
        %gather3A_189 = tpu.vector_load_idx %arg6[%add3A_188] : memref<80xf32, #tpu.memory_space<vmem>>[vector<16xi32>], vector<16xf32>,
        %add3A_190 = arith.constant 0 : i32
        %add3A_191 = arith.addi %add3A_186, %add3A_190 : i32
        %add3A_192 = arith.constant 0 : i32
        %add3A_193 = arith.addi %add3A_191, %add3A_192 : i32
        %swap3A = arith.index_cast %and3A_82 : i32 to index
        %swap3A_194 = arith.index_cast %add3A_193 : i32 to index
        %swap3A_195 = tpu.vector_load %arg7[%swap3A, %swap3A_194] {strides = array<i32>} : memref<2x16384xf32, #tpu.memory_space<vmem>>, vector<16xf32>,
        tpu.vector_store %arg7[%swap3A, %swap3A_194], %gather3A_189 {strides = array<i32>} : memref<2x16384xf32, #tpu.memory_space<vmem>>, vector<16xf32>,
        %broadcast_in_dim3A_196 = vector.shape_cast %add3A_23 : vector<16xi32> to vector<16x1xi32>
        %gather3A_197 = vector.shape_cast %broadcast_in_dim3A_196 : vector<16x1xi32> to vector<16xi32>
        %gather3A_198 = tpu.dynamic_gather %mul3A_171[%gather3A_197] in [0] : vector<16xi32>, vector<16xi32> -> vector<16xi32>
        %add3A_199 = arith.addi %gather3A_198, %and3A_12 : vector<16xi32>
        %gather3A_200 = tpu.vector_load_idx %arg6[%add3A_199] : memref<80xf32, #tpu.memory_space<vmem>>[vector<16xi32>], vector<16xf32>,
        %add3A_201 = arith.constant 0 : i32
        %add3A_202 = arith.addi %add3A_186, %add3A_201 : i32
        %add3A_203 = arith.constant 16 : i32
        %add3A_204 = arith.addi %add3A_202, %add3A_203 : i32
        %swap3A_205 = arith.index_cast %and3A_82 : i32 to index
        %swap3A_206 = arith.index_cast %add3A_204 : i32 to index
        %swap3A_207 = tpu.vector_load %arg7[%swap3A_205, %swap3A_206] {strides = array<i32>} : memref<2x16384xf32, #tpu.memory_space<vmem>>, vector<16xf32>,
        tpu.vector_store %arg7[%swap3A_205, %swap3A_206], %gather3A_200 {strides = array<i32>} : memref<2x16384xf32, #tpu.memory_space<vmem>>, vector<16xf32>,
        %broadcast_in_dim3A_208 = vector.shape_cast %add3A_26 : vector<16xi32> to vector<16x1xi32>
        %gather3A_209 = vector.shape_cast %broadcast_in_dim3A_208 : vector<16x1xi32> to vector<16xi32>
        %gather3A_210 = tpu.dynamic_gather %mul3A_171[%gather3A_209] in [0] : vector<16xi32>, vector<16xi32> -> vector<16xi32>
        %add3A_211 = arith.addi %gather3A_210, %and3A_12 : vector<16xi32>
        %gather3A_212 = tpu.vector_load_idx %arg6[%add3A_211] : memref<80xf32, #tpu.memory_space<vmem>>[vector<16xi32>], vector<16xf32>,
        %add3A_213 = arith.constant 128 : i32
        %add3A_214 = arith.addi %add3A_186, %add3A_213 : i32
        %add3A_215 = arith.constant 0 : i32
        %add3A_216 = arith.addi %add3A_214, %add3A_215 : i32
        %swap3A_217 = arith.index_cast %and3A_82 : i32 to index
        %swap3A_218 = arith.index_cast %add3A_216 : i32 to index
        %swap3A_219 = tpu.vector_load %arg7[%swap3A_217, %swap3A_218] {strides = array<i32>} : memref<2x16384xf32, #tpu.memory_space<vmem>>, vector<16xf32>,
        tpu.vector_store %arg7[%swap3A_217, %swap3A_218], %gather3A_212 {strides = array<i32>} : memref<2x16384xf32, #tpu.memory_space<vmem>>, vector<16xf32>,
        %broadcast_in_dim3A_220 = vector.shape_cast %add3A_29 : vector<16xi32> to vector<16x1xi32>
        %gather3A_221 = vector.shape_cast %broadcast_in_dim3A_220 : vector<16x1xi32> to vector<16xi32>
        %gather3A_222 = tpu.dynamic_gather %mul3A_171[%gather3A_221] in [0] : vector<16xi32>, vector<16xi32> -> vector<16xi32>
        %add3A_223 = arith.addi %gather3A_222, %and3A_12 : vector<16xi32>
        %gather3A_224 = tpu.vector_load_idx %arg6[%add3A_223] : memref<80xf32, #tpu.memory_space<vmem>>[vector<16xi32>], vector<16xf32>,
        %add3A_225 = arith.constant 128 : i32
        %add3A_226 = arith.addi %add3A_186, %add3A_225 : i32
        %add3A_227 = arith.constant 16 : i32
        %add3A_228 = arith.addi %add3A_226, %add3A_227 : i32
        %swap3A_229 = arith.index_cast %and3A_82 : i32 to index
        %swap3A_230 = arith.index_cast %add3A_228 : i32 to index
        %swap3A_231 = tpu.vector_load %arg7[%swap3A_229, %swap3A_230] {strides = array<i32>} : memref<2x16384xf32, #tpu.memory_space<vmem>>, vector<16xf32>,
        tpu.vector_store %arg7[%swap3A_229, %swap3A_230], %gather3A_224 {strides = array<i32>} : memref<2x16384xf32, #tpu.memory_space<vmem>>, vector<16xf32>,
        %broadcast_in_dim3A_232 = vector.shape_cast %add3A_32 : vector<16xi32> to vector<16x1xi32>
        %gather3A_233 = vector.shape_cast %broadcast_in_dim3A_232 : vector<16x1xi32> to vector<16xi32>
        %gather3A_234 = tpu.dynamic_gather %mul3A_171[%gather3A_233] in [0] : vector<16xi32>, vector<16xi32> -> vector<16xi32>
        %add3A_235 = arith.addi %gather3A_234, %and3A_12 : vector<16xi32>
        %gather3A_236 = tpu.vector_load_idx %arg6[%add3A_235] : memref<80xf32, #tpu.memory_space<vmem>>[vector<16xi32>], vector<16xf32>,
        %add3A_237 = arith.constant 256 : i32
        %add3A_238 = arith.addi %add3A_186, %add3A_237 : i32
        %add3A_239 = arith.constant 0 : i32
        %add3A_240 = arith.addi %add3A_238, %add3A_239 : i32
        %swap3A_241 = arith.index_cast %and3A_82 : i32 to index
        %swap3A_242 = arith.index_cast %add3A_240 : i32 to index
        %swap3A_243 = tpu.vector_load %arg7[%swap3A_241, %swap3A_242] {strides = array<i32>} : memref<2x16384xf32, #tpu.memory_space<vmem>>, vector<16xf32>,
        tpu.vector_store %arg7[%swap3A_241, %swap3A_242], %gather3A_236 {strides = array<i32>} : memref<2x16384xf32, #tpu.memory_space<vmem>>, vector<16xf32>,
        %broadcast_in_dim3A_244 = vector.shape_cast %add3A_35 : vector<16xi32> to vector<16x1xi32>
        %gather3A_245 = vector.shape_cast %broadcast_in_dim3A_244 : vector<16x1xi32> to vector<16xi32>
        %gather3A_246 = tpu.dynamic_gather %mul3A_171[%gather3A_245] in [0] : vector<16xi32>, vector<16xi32> -> vector<16xi32>
        %add3A_247 = arith.addi %gather3A_246, %and3A_12 : vector<16xi32>
        %gather3A_248 = tpu.vector_load_idx %arg6[%add3A_247] : memref<80xf32, #tpu.memory_space<vmem>>[vector<16xi32>], vector<16xf32>,
        %add3A_249 = arith.constant 256 : i32
        %add3A_250 = arith.addi %add3A_186, %add3A_249 : i32
        %add3A_251 = arith.constant 16 : i32
        %add3A_252 = arith.addi %add3A_250, %add3A_251 : i32
        %swap3A_253 = arith.index_cast %and3A_82 : i32 to index
        %swap3A_254 = arith.index_cast %add3A_252 : i32 to index
        %swap3A_255 = tpu.vector_load %arg7[%swap3A_253, %swap3A_254] {strides = array<i32>} : memref<2x16384xf32, #tpu.memory_space<vmem>>, vector<16xf32>,
        tpu.vector_store %arg7[%swap3A_253, %swap3A_254], %gather3A_248 {strides = array<i32>} : memref<2x16384xf32, #tpu.memory_space<vmem>>, vector<16xf32>,
        %broadcast_in_dim3A_256 = vector.shape_cast %add3A_38 : vector<16xi32> to vector<16x1xi32>
        %gather3A_257 = vector.shape_cast %broadcast_in_dim3A_256 : vector<16x1xi32> to vector<16xi32>
        %gather3A_258 = tpu.dynamic_gather %mul3A_171[%gather3A_257] in [0] : vector<16xi32>, vector<16xi32> -> vector<16xi32>
        %add3A_259 = arith.addi %gather3A_258, %and3A_12 : vector<16xi32>
        %gather3A_260 = tpu.vector_load_idx %arg6[%add3A_259] : memref<80xf32, #tpu.memory_space<vmem>>[vector<16xi32>], vector<16xf32>,
        %add3A_261 = arith.constant 384 : i32
        %add3A_262 = arith.addi %add3A_186, %add3A_261 : i32
        %add3A_263 = arith.constant 0 : i32
        %add3A_264 = arith.addi %add3A_262, %add3A_263 : i32
        %swap3A_265 = arith.index_cast %and3A_82 : i32 to index
        %swap3A_266 = arith.index_cast %add3A_264 : i32 to index
        %swap3A_267 = tpu.vector_load %arg7[%swap3A_265, %swap3A_266] {strides = array<i32>} : memref<2x16384xf32, #tpu.memory_space<vmem>>, vector<16xf32>,
        tpu.vector_store %arg7[%swap3A_265, %swap3A_266], %gather3A_260 {strides = array<i32>} : memref<2x16384xf32, #tpu.memory_space<vmem>>, vector<16xf32>,
        %broadcast_in_dim3A_268 = vector.shape_cast %add3A_41 : vector<16xi32> to vector<16x1xi32>
        %gather3A_269 = vector.shape_cast %broadcast_in_dim3A_268 : vector<16x1xi32> to vector<16xi32>
        %gather3A_270 = tpu.dynamic_gather %mul3A_171[%gather3A_269] in [0] : vector<16xi32>, vector<16xi32> -> vector<16xi32>
        %add3A_271 = arith.addi %gather3A_270, %and3A_12 : vector<16xi32>
        %gather3A_272 = tpu.vector_load_idx %arg6[%add3A_271] : memref<80xf32, #tpu.memory_space<vmem>>[vector<16xi32>], vector<16xf32>,
        %add3A_273 = arith.constant 384 : i32
        %add3A_274 = arith.addi %add3A_186, %add3A_273 : i32
        %add3A_275 = arith.constant 16 : i32
        %add3A_276 = arith.addi %add3A_274, %add3A_275 : i32
        %swap3A_277 = arith.index_cast %and3A_82 : i32 to index
        %swap3A_278 = arith.index_cast %add3A_276 : i32 to index
        %swap3A_279 = tpu.vector_load %arg7[%swap3A_277, %swap3A_278] {strides = array<i32>} : memref<2x16384xf32, #tpu.memory_space<vmem>>, vector<16xf32>,
        tpu.vector_store %arg7[%swap3A_277, %swap3A_278], %gather3A_272 {strides = array<i32>} : memref<2x16384xf32, #tpu.memory_space<vmem>>, vector<16xf32>,
        %scan3A_280 = arith.constant 1 : i32
        %scan3A_281 = arith.addi %scan3A_104, %scan3A_280 : i32
        %shift_right_arithmetic3A_282 = arith.constant 5 : i32
        %shift_right_arithmetic3A_283 = arith.shrsi %scan3A_281, %shift_right_arithmetic3A_282 : i32
        %shift_right_arithmetic3A_284 = arith.constant 3 : i32
        %shift_right_arithmetic3A_285 = arith.shrsi %scan3A_281, %shift_right_arithmetic3A_284 : i32
        %and3A_286 = arith.constant 3 : i32
        %and3A_287 = arith.andi %shift_right_arithmetic3A_285, %and3A_286 : i32
        %and3A_288 = arith.constant 7 : i32
        %and3A_289 = arith.andi %scan3A_281, %and3A_288 : i32
        %mul3A_290 = arith.constant 16384 : i32
        %mul3A_291 = arith.muli %shift_right_arithmetic3A_283, %mul3A_290 : i32
        %mul3A_292 = arith.constant 4 : i32
        %mul3A_293 = arith.muli %mul3A_292, %scan3A_80 : i32
        %add3A_294 = arith.addi %mul3A_293, %and3A_287 : i32
        %mul3A_295 = arith.constant 128 : i32
        %mul3A_296 = arith.muli %add3A_294, %mul3A_295 : i32
        %add3A_297 = arith.addi %mul3A_291, %mul3A_296 : i32
        %mul3A_298 = arith.constant 16 : i32
        %mul3A_299 = arith.muli %mul3A_298, %and3A_289 : i32
        %add3A_300 = arith.addi %add3A_297, %mul3A_299 : i32
        %get3A_301 = arith.index_cast %add3A_300 : i32 to index
        %get3A_302 = tpu.vector_load %arg5[%get3A_301] {strides = array<i32>} : memref<65536xf32, #tpu.memory_space<vmem>>, vector<16xf32>,
        %ge3A_303 = arith.constant -1.000000e+03 : f32
        %ge3A_304 = vector.broadcast %ge3A_303 : f32 to vector<16xf32>
        %ge3A_305 = arith.cmpf oge, %get3A_302, %ge3A_304 : vector<16xf32>
        %convert_element_type3A_306 = arith.extui %ge3A_305 : vector<16xi1> to vector<16xi32>
        %ge3A_307 = arith.constant -7.500000e+01 : f32
        %ge3A_308 = vector.broadcast %ge3A_307 : f32 to vector<16xf32>
        %ge3A_309 = arith.cmpf oge, %get3A_302, %ge3A_308 : vector<16xf32>
        %convert_element_type3A_310 = arith.extui %ge3A_309 : vector<16xi1> to vector<16xi32>
        %ge3A_311 = arith.constant 0.000000e+00 : f32
        %ge3A_312 = vector.broadcast %ge3A_311 : f32 to vector<16xf32>
        %ge3A_313 = arith.cmpf oge, %get3A_302, %ge3A_312 : vector<16xf32>
        %convert_element_type3A_314 = arith.extui %ge3A_313 : vector<16xi1> to vector<16xi32>
        %ge3A_315 = arith.constant 1.500000e+01 : f32
        %ge3A_316 = vector.broadcast %ge3A_315 : f32 to vector<16xf32>
        %ge3A_317 = arith.cmpf oge, %get3A_302, %ge3A_316 : vector<16xf32>
        %convert_element_type3A_318 = arith.extui %ge3A_317 : vector<16xi1> to vector<16xi32>
        %ge3A_319 = arith.constant 2.500000e+01 : f32
        %ge3A_320 = vector.broadcast %ge3A_319 : f32 to vector<16xf32>
        %ge3A_321 = arith.cmpf oge, %get3A_302, %ge3A_320 : vector<16xf32>
        %convert_element_type3A_322 = arith.extui %ge3A_321 : vector<16xi1> to vector<16xi32>
        %ge3A_323 = arith.constant 4.000000e+01 : f32
        %ge3A_324 = vector.broadcast %ge3A_323 : f32 to vector<16xf32>
        %ge3A_325 = arith.cmpf oge, %get3A_302, %ge3A_324 : vector<16xf32>
        %convert_element_type3A_326 = arith.extui %ge3A_325 : vector<16xi1> to vector<16xi32>
        %ge3A_327 = arith.constant 5.000000e+01 : f32
        %ge3A_328 = vector.broadcast %ge3A_327 : f32 to vector<16xf32>
        %ge3A_329 = arith.cmpf oge, %get3A_302, %ge3A_328 : vector<16xf32>
        %convert_element_type3A_330 = arith.extui %ge3A_329 : vector<16xi1> to vector<16xi32>
        %ge3A_331 = arith.constant 2.000000e+02 : f32
        %ge3A_332 = vector.broadcast %ge3A_331 : f32 to vector<16xf32>
        %ge3A_333 = arith.cmpf oge, %get3A_302, %ge3A_332 : vector<16xf32>
        %convert_element_type3A_334 = arith.extui %ge3A_333 : vector<16xi1> to vector<16xi32>
        %ge3A_335 = arith.constant 1.000000e+03 : f32
        %ge3A_336 = vector.broadcast %ge3A_335 : f32 to vector<16xf32>
        %ge3A_337 = arith.cmpf oge, %get3A_302, %ge3A_336 : vector<16xf32>
        %convert_element_type3A_338 = arith.extui %ge3A_337 : vector<16xi1> to vector<16xi32>
        %add3A_339 = arith.addi %convert_element_type3A_306, %convert_element_type3A_310 : vector<16xi32>
        %add3A_340 = arith.addi %convert_element_type3A_314, %convert_element_type3A_318 : vector<16xi32>
        %add3A_341 = arith.addi %convert_element_type3A_322, %convert_element_type3A_326 : vector<16xi32>
        %add3A_342 = arith.addi %convert_element_type3A_330, %convert_element_type3A_334 : vector<16xi32>
        %add3A_343 = arith.addi %add3A_339, %add3A_340 : vector<16xi32>
        %add3A_344 = arith.addi %add3A_341, %add3A_342 : vector<16xi32>
        %add3A_345 = arith.addi %add3A_343, %add3A_344 : vector<16xi32>
        %add3A_346 = arith.addi %add3A_345, %convert_element_type3A_338 : vector<16xi32>
        %mul3A_347 = arith.constant 8 : i32
        %mul3A_348 = vector.broadcast %mul3A_347 : i32 to vector<16xi32>
        %mul3A_349 = arith.muli %add3A_346, %mul3A_348 : vector<16xi32>
        %shift_right_arithmetic3A_350 = arith.constant 1 : i32
        %shift_right_arithmetic3A_351 = arith.shrsi %and3A_289, %shift_right_arithmetic3A_350 : i32
        %mul3A_352 = arith.constant 4096 : i32
        %mul3A_353 = arith.muli %shift_right_arithmetic3A_351, %mul3A_352 : i32
        %mul3A_354 = arith.constant 1024 : i32
        %mul3A_355 = arith.muli %shift_right_arithmetic3A_283, %mul3A_354 : i32
        %add3A_356 = arith.addi %mul3A_353, %mul3A_355 : i32
        %and3A_357 = arith.constant 1 : i32
        %and3A_358 = arith.andi %and3A_289, %and3A_357 : i32
        %mul3A_359 = arith.constant 512 : i32
        %mul3A_360 = arith.muli %and3A_358, %mul3A_359 : i32
        %add3A_361 = arith.addi %add3A_356, %mul3A_360 : i32
        %mul3A_362 = arith.constant 32 : i32
        %mul3A_363 = arith.muli %and3A_287, %mul3A_362 : i32
        %add3A_364 = arith.addi %add3A_361, %mul3A_363 : i32
        %broadcast_in_dim3A_365 = vector.shape_cast %add3A_20 : vector<16xi32> to vector<16x1xi32>
        %gather3A_366 = vector.shape_cast %broadcast_in_dim3A_365 : vector<16x1xi32> to vector<16xi32>
        %gather3A_367 = tpu.dynamic_gather %mul3A_349[%gather3A_366] in [0] : vector<16xi32>, vector<16xi32> -> vector<16xi32>
        %add3A_368 = arith.addi %gather3A_367, %and3A_12 : vector<16xi32>
        %gather3A_369 = tpu.vector_load_idx %arg6[%add3A_368] : memref<80xf32, #tpu.memory_space<vmem>>[vector<16xi32>], vector<16xf32>,
        %add3A_370 = arith.constant 0 : i32
        %add3A_371 = arith.addi %add3A_364, %add3A_370 : i32
        %add3A_372 = arith.constant 0 : i32
        %add3A_373 = arith.addi %add3A_371, %add3A_372 : i32
        %swap3A_374 = arith.index_cast %and3A_82 : i32 to index
        %swap3A_375 = arith.index_cast %add3A_373 : i32 to index
        %swap3A_376 = tpu.vector_load %arg7[%swap3A_374, %swap3A_375] {strides = array<i32>} : memref<2x16384xf32, #tpu.memory_space<vmem>>, vector<16xf32>,
        tpu.vector_store %arg7[%swap3A_374, %swap3A_375], %gather3A_369 {strides = array<i32>} : memref<2x16384xf32, #tpu.memory_space<vmem>>, vector<16xf32>,
        %broadcast_in_dim3A_377 = vector.shape_cast %add3A_23 : vector<16xi32> to vector<16x1xi32>
        %gather3A_378 = vector.shape_cast %broadcast_in_dim3A_377 : vector<16x1xi32> to vector<16xi32>
        %gather3A_379 = tpu.dynamic_gather %mul3A_349[%gather3A_378] in [0] : vector<16xi32>, vector<16xi32> -> vector<16xi32>
        %add3A_380 = arith.addi %gather3A_379, %and3A_12 : vector<16xi32>
        %gather3A_381 = tpu.vector_load_idx %arg6[%add3A_380] : memref<80xf32, #tpu.memory_space<vmem>>[vector<16xi32>], vector<16xf32>,
        %add3A_382 = arith.constant 0 : i32
        %add3A_383 = arith.addi %add3A_364, %add3A_382 : i32
        %add3A_384 = arith.constant 16 : i32
        %add3A_385 = arith.addi %add3A_383, %add3A_384 : i32
        %swap3A_386 = arith.index_cast %and3A_82 : i32 to index
        %swap3A_387 = arith.index_cast %add3A_385 : i32 to index
        %swap3A_388 = tpu.vector_load %arg7[%swap3A_386, %swap3A_387] {strides = array<i32>} : memref<2x16384xf32, #tpu.memory_space<vmem>>, vector<16xf32>,
        tpu.vector_store %arg7[%swap3A_386, %swap3A_387], %gather3A_381 {strides = array<i32>} : memref<2x16384xf32, #tpu.memory_space<vmem>>, vector<16xf32>,
        %broadcast_in_dim3A_389 = vector.shape_cast %add3A_26 : vector<16xi32> to vector<16x1xi32>
        %gather3A_390 = vector.shape_cast %broadcast_in_dim3A_389 : vector<16x1xi32> to vector<16xi32>
        %gather3A_391 = tpu.dynamic_gather %mul3A_349[%gather3A_390] in [0] : vector<16xi32>, vector<16xi32> -> vector<16xi32>
        %add3A_392 = arith.addi %gather3A_391, %and3A_12 : vector<16xi32>
        %gather3A_393 = tpu.vector_load_idx %arg6[%add3A_392] : memref<80xf32, #tpu.memory_space<vmem>>[vector<16xi32>], vector<16xf32>,
        %add3A_394 = arith.constant 128 : i32
        %add3A_395 = arith.addi %add3A_364, %add3A_394 : i32
        %add3A_396 = arith.constant 0 : i32
        %add3A_397 = arith.addi %add3A_395, %add3A_396 : i32
        %swap3A_398 = arith.index_cast %and3A_82 : i32 to index
        %swap3A_399 = arith.index_cast %add3A_397 : i32 to index
        %swap3A_400 = tpu.vector_load %arg7[%swap3A_398, %swap3A_399] {strides = array<i32>} : memref<2x16384xf32, #tpu.memory_space<vmem>>, vector<16xf32>,
        tpu.vector_store %arg7[%swap3A_398, %swap3A_399], %gather3A_393 {strides = array<i32>} : memref<2x16384xf32, #tpu.memory_space<vmem>>, vector<16xf32>,
        %broadcast_in_dim3A_401 = vector.shape_cast %add3A_29 : vector<16xi32> to vector<16x1xi32>
        %gather3A_402 = vector.shape_cast %broadcast_in_dim3A_401 : vector<16x1xi32> to vector<16xi32>
        %gather3A_403 = tpu.dynamic_gather %mul3A_349[%gather3A_402] in [0] : vector<16xi32>, vector<16xi32> -> vector<16xi32>
        %add3A_404 = arith.addi %gather3A_403, %and3A_12 : vector<16xi32>
        %gather3A_405 = tpu.vector_load_idx %arg6[%add3A_404] : memref<80xf32, #tpu.memory_space<vmem>>[vector<16xi32>], vector<16xf32>,
        %add3A_406 = arith.constant 128 : i32
        %add3A_407 = arith.addi %add3A_364, %add3A_406 : i32
        %add3A_408 = arith.constant 16 : i32
        %add3A_409 = arith.addi %add3A_407, %add3A_408 : i32
        %swap3A_410 = arith.index_cast %and3A_82 : i32 to index
        %swap3A_411 = arith.index_cast %add3A_409 : i32 to index
        %swap3A_412 = tpu.vector_load %arg7[%swap3A_410, %swap3A_411] {strides = array<i32>} : memref<2x16384xf32, #tpu.memory_space<vmem>>, vector<16xf32>,
        tpu.vector_store %arg7[%swap3A_410, %swap3A_411], %gather3A_405 {strides = array<i32>} : memref<2x16384xf32, #tpu.memory_space<vmem>>, vector<16xf32>,
        %broadcast_in_dim3A_413 = vector.shape_cast %add3A_32 : vector<16xi32> to vector<16x1xi32>
        %gather3A_414 = vector.shape_cast %broadcast_in_dim3A_413 : vector<16x1xi32> to vector<16xi32>
        %gather3A_415 = tpu.dynamic_gather %mul3A_349[%gather3A_414] in [0] : vector<16xi32>, vector<16xi32> -> vector<16xi32>
        %add3A_416 = arith.addi %gather3A_415, %and3A_12 : vector<16xi32>
        %gather3A_417 = tpu.vector_load_idx %arg6[%add3A_416] : memref<80xf32, #tpu.memory_space<vmem>>[vector<16xi32>], vector<16xf32>,
        %add3A_418 = arith.constant 256 : i32
        %add3A_419 = arith.addi %add3A_364, %add3A_418 : i32
        %add3A_420 = arith.constant 0 : i32
        %add3A_421 = arith.addi %add3A_419, %add3A_420 : i32
        %swap3A_422 = arith.index_cast %and3A_82 : i32 to index
        %swap3A_423 = arith.index_cast %add3A_421 : i32 to index
        %swap3A_424 = tpu.vector_load %arg7[%swap3A_422, %swap3A_423] {strides = array<i32>} : memref<2x16384xf32, #tpu.memory_space<vmem>>, vector<16xf32>,
        tpu.vector_store %arg7[%swap3A_422, %swap3A_423], %gather3A_417 {strides = array<i32>} : memref<2x16384xf32, #tpu.memory_space<vmem>>, vector<16xf32>,
        %broadcast_in_dim3A_425 = vector.shape_cast %add3A_35 : vector<16xi32> to vector<16x1xi32>
        %gather3A_426 = vector.shape_cast %broadcast_in_dim3A_425 : vector<16x1xi32> to vector<16xi32>
        %gather3A_427 = tpu.dynamic_gather %mul3A_349[%gather3A_426] in [0] : vector<16xi32>, vector<16xi32> -> vector<16xi32>
        %add3A_428 = arith.addi %gather3A_427, %and3A_12 : vector<16xi32>
        %gather3A_429 = tpu.vector_load_idx %arg6[%add3A_428] : memref<80xf32, #tpu.memory_space<vmem>>[vector<16xi32>], vector<16xf32>,
        %add3A_430 = arith.constant 256 : i32
        %add3A_431 = arith.addi %add3A_364, %add3A_430 : i32
        %add3A_432 = arith.constant 16 : i32
        %add3A_433 = arith.addi %add3A_431, %add3A_432 : i32
        %swap3A_434 = arith.index_cast %and3A_82 : i32 to index
        %swap3A_435 = arith.index_cast %add3A_433 : i32 to index
        %swap3A_436 = tpu.vector_load %arg7[%swap3A_434, %swap3A_435] {strides = array<i32>} : memref<2x16384xf32, #tpu.memory_space<vmem>>, vector<16xf32>,
        tpu.vector_store %arg7[%swap3A_434, %swap3A_435], %gather3A_429 {strides = array<i32>} : memref<2x16384xf32, #tpu.memory_space<vmem>>, vector<16xf32>,
        %broadcast_in_dim3A_437 = vector.shape_cast %add3A_38 : vector<16xi32> to vector<16x1xi32>
        %gather3A_438 = vector.shape_cast %broadcast_in_dim3A_437 : vector<16x1xi32> to vector<16xi32>
        %gather3A_439 = tpu.dynamic_gather %mul3A_349[%gather3A_438] in [0] : vector<16xi32>, vector<16xi32> -> vector<16xi32>
        %add3A_440 = arith.addi %gather3A_439, %and3A_12 : vector<16xi32>
        %gather3A_441 = tpu.vector_load_idx %arg6[%add3A_440] : memref<80xf32, #tpu.memory_space<vmem>>[vector<16xi32>], vector<16xf32>,
        %add3A_442 = arith.constant 384 : i32
        %add3A_443 = arith.addi %add3A_364, %add3A_442 : i32
        %add3A_444 = arith.constant 0 : i32
        %add3A_445 = arith.addi %add3A_443, %add3A_444 : i32
        %swap3A_446 = arith.index_cast %and3A_82 : i32 to index
        %swap3A_447 = arith.index_cast %add3A_445 : i32 to index
        %swap3A_448 = tpu.vector_load %arg7[%swap3A_446, %swap3A_447] {strides = array<i32>} : memref<2x16384xf32, #tpu.memory_space<vmem>>, vector<16xf32>,
        tpu.vector_store %arg7[%swap3A_446, %swap3A_447], %gather3A_441 {strides = array<i32>} : memref<2x16384xf32, #tpu.memory_space<vmem>>, vector<16xf32>,
        %broadcast_in_dim3A_449 = vector.shape_cast %add3A_41 : vector<16xi32> to vector<16x1xi32>
        %gather3A_450 = vector.shape_cast %broadcast_in_dim3A_449 : vector<16x1xi32> to vector<16xi32>
        %gather3A_451 = tpu.dynamic_gather %mul3A_349[%gather3A_450] in [0] : vector<16xi32>, vector<16xi32> -> vector<16xi32>
        %add3A_452 = arith.addi %gather3A_451, %and3A_12 : vector<16xi32>
        %gather3A_453 = tpu.vector_load_idx %arg6[%add3A_452] : memref<80xf32, #tpu.memory_space<vmem>>[vector<16xi32>], vector<16xf32>,
        %add3A_454 = arith.constant 384 : i32
        %add3A_455 = arith.addi %add3A_364, %add3A_454 : i32
        %add3A_456 = arith.constant 16 : i32
        %add3A_457 = arith.addi %add3A_455, %add3A_456 : i32
        %swap3A_458 = arith.index_cast %and3A_82 : i32 to index
        %swap3A_459 = arith.index_cast %add3A_457 : i32 to index
        %swap3A_460 = tpu.vector_load %arg7[%swap3A_458, %swap3A_459] {strides = array<i32>} : memref<2x16384xf32, #tpu.memory_space<vmem>>, vector<16xf32>,
        tpu.vector_store %arg7[%swap3A_458, %swap3A_459], %gather3A_453 {strides = array<i32>} : memref<2x16384xf32, #tpu.memory_space<vmem>>, vector<16xf32>,
      }
      %scan3A_90 = arith.constant 128 : i32
      %dma_start3A = arith.constant 0 : i32
      %dma_start3A_91 = tpu.memref_slice %arg7[%and3A_82, %dma_start3A] : memref<2x16384xf32, #tpu.memory_space<vmem>> -> memref<1x16384xf32, #tpu.memory_space<vmem>>
      %dma_start3A_92 = tpu.memref_squeeze %dma_start3A_91 : memref<1x16384xf32, #tpu.memory_space<vmem>> -> memref<16384xf32, #tpu.memory_space<vmem>>
      %dma_start3A_93 = arith.constant 0 : i32
      %dma_start3A_94 = tpu.memref_slice %arg4[%arg0, %arg1, %scan3A_80, %dma_start3A_93] : memref<2x16x32x16384xf32, #tpu.memory_space<hbm>> -> memref<1x1x1x16384xf32, #tpu.memory_space<hbm>>
      %dma_start3A_95 = tpu.memref_squeeze %dma_start3A_94 : memref<1x1x1x16384xf32, #tpu.memory_space<hbm>> -> memref<16384xf32, #tpu.memory_space<hbm>>
      %dma_start3A_96 = tpu.memref_slice %arg8[%and3A_82] : memref<2x!tpu.dma_semaphore, #tpu.memory_space<semaphore_mem>> -> memref<1x!tpu.dma_semaphore, #tpu.memory_space<semaphore_mem>>
      %dma_start3A_97 = tpu.memref_squeeze %dma_start3A_96 : memref<1x!tpu.dma_semaphore, #tpu.memory_space<semaphore_mem>> -> memref<!tpu.dma_semaphore, #tpu.memory_space<semaphore_mem>>
      %dma_start3A_98 = arith.constant 0 : i32
      %dma_start3A_99 = tpu.memref_slice %arg4[%arg0, %arg1, %scan3A_80, %dma_start3A_98] : memref<2x16x32x16384xf32, #tpu.memory_space<hbm>> -> memref<1x1x1x16384xf32, #tpu.memory_space<hbm>>
      %dma_start3A_100 = tpu.memref_squeeze %dma_start3A_99 : memref<1x1x1x16384xf32, #tpu.memory_space<hbm>> -> memref<16384xf32, #tpu.memory_space<hbm>>
      %dma_start3A_101 = arith.constant 0 : i32
      %dma_start3A_102 = tpu.memref_slice %arg7[%and3A_82, %dma_start3A_101] : memref<2x16384xf32, #tpu.memory_space<vmem>> -> memref<1x16384xf32, #tpu.memory_space<vmem>>
      %dma_start3A_103 = tpu.memref_squeeze %dma_start3A_102 : memref<1x16384xf32, #tpu.memory_space<vmem>> -> memref<16384xf32, #tpu.memory_space<vmem>>
      tpu.enqueue_dma source(%dma_start3A_103 : memref<16384xf32, #tpu.memory_space<vmem>>) target(%dma_start3A_100 : memref<16384xf32, #tpu.memory_space<hbm>>) target_semaphore(%dma_start3A_97 : memref<!tpu.dma_semaphore, #tpu.memory_space<semaphore_mem>>)
    }
    %scan3A_46 = arith.constant 32 : i32
    %dma_wait3A = arith.constant 0 : i32
    %dma_wait3A_47 = arith.constant 30 : i32
    %dma_wait3A_48 = arith.constant 0 : i32
    %dma_wait3A_49 = arith.constant 0 : i32
    %dma_wait3A_50 = tpu.memref_slice %arg7[%dma_wait3A, %dma_wait3A_49] : memref<2x16384xf32, #tpu.memory_space<vmem>> -> memref<1x16384xf32, #tpu.memory_space<vmem>>
    %dma_wait3A_51 = tpu.memref_squeeze %dma_wait3A_50 : memref<1x16384xf32, #tpu.memory_space<vmem>> -> memref<16384xf32, #tpu.memory_space<vmem>>
    %dma_wait3A_52 = arith.constant 0 : i32
    %dma_wait3A_53 = tpu.memref_slice %arg4[%arg0, %arg1, %dma_wait3A_47, %dma_wait3A_52] : memref<2x16x32x16384xf32, #tpu.memory_space<hbm>> -> memref<1x1x1x16384xf32, #tpu.memory_space<hbm>>
    %dma_wait3A_54 = tpu.memref_squeeze %dma_wait3A_53 : memref<1x1x1x16384xf32, #tpu.memory_space<hbm>> -> memref<16384xf32, #tpu.memory_space<hbm>>
    %dma_wait3A_55 = tpu.memref_slice %arg8[%dma_wait3A_48] : memref<2x!tpu.dma_semaphore, #tpu.memory_space<semaphore_mem>> -> memref<1x!tpu.dma_semaphore, #tpu.memory_space<semaphore_mem>>
    %dma_wait3A_56 = tpu.memref_squeeze %dma_wait3A_55 : memref<1x!tpu.dma_semaphore, #tpu.memory_space<semaphore_mem>> -> memref<!tpu.dma_semaphore, #tpu.memory_space<semaphore_mem>>
    %dma_wait3A_57 = arith.constant 0 : i32
    %dma_wait3A_58 = tpu.memref_slice %arg4[%arg0, %arg1, %dma_wait3A_47, %dma_wait3A_57] : memref<2x16x32x16384xf32, #tpu.memory_space<hbm>> -> memref<1x1x1x16384xf32, #tpu.memory_space<hbm>>
    %dma_wait3A_59 = tpu.memref_squeeze %dma_wait3A_58 : memref<1x1x1x16384xf32, #tpu.memory_space<hbm>> -> memref<16384xf32, #tpu.memory_space<hbm>>
    %dma_wait3A_60 = arith.constant 0 : i32
    %dma_wait3A_61 = tpu.memref_slice %arg7[%dma_wait3A, %dma_wait3A_60] : memref<2x16384xf32, #tpu.memory_space<vmem>> -> memref<1x16384xf32, #tpu.memory_space<vmem>>
    %dma_wait3A_62 = tpu.memref_squeeze %dma_wait3A_61 : memref<1x16384xf32, #tpu.memory_space<vmem>> -> memref<16384xf32, #tpu.memory_space<vmem>>
    tpu.wait_dma2 semaphore(%dma_wait3A_56 : memref<!tpu.dma_semaphore, #tpu.memory_space<semaphore_mem>>) src(%dma_wait3A_62 : memref<16384xf32, #tpu.memory_space<vmem>>) dst(%dma_wait3A_59 : memref<16384xf32, #tpu.memory_space<hbm>>)
    %dma_wait3A_63 = arith.constant 1 : i32
    %dma_wait3A_64 = arith.constant 31 : i32
    %dma_wait3A_65 = arith.constant 1 : i32
    %dma_wait3A_66 = arith.constant 0 : i32
    %dma_wait3A_67 = tpu.memref_slice %arg7[%dma_wait3A_63, %dma_wait3A_66] : memref<2x16384xf32, #tpu.memory_space<vmem>> -> memref<1x16384xf32, #tpu.memory_space<vmem>>
    %dma_wait3A_68 = tpu.memref_squeeze %dma_wait3A_67 : memref<1x16384xf32, #tpu.memory_space<vmem>> -> memref<16384xf32, #tpu.memory_space<vmem>>
    %dma_wait3A_69 = arith.constant 0 : i32
    %dma_wait3A_70 = tpu.memref_slice %arg4[%arg0, %arg1, %dma_wait3A_64, %dma_wait3A_69] : memref<2x16x32x16384xf32, #tpu.memory_space<hbm>> -> memref<1x1x1x16384xf32, #tpu.memory_space<hbm>>
    %dma_wait3A_71 = tpu.memref_squeeze %dma_wait3A_70 : memref<1x1x1x16384xf32, #tpu.memory_space<hbm>> -> memref<16384xf32, #tpu.memory_space<hbm>>
    %dma_wait3A_72 = tpu.memref_slice %arg8[%dma_wait3A_65] : memref<2x!tpu.dma_semaphore, #tpu.memory_space<semaphore_mem>> -> memref<1x!tpu.dma_semaphore, #tpu.memory_space<semaphore_mem>>
    %dma_wait3A_73 = tpu.memref_squeeze %dma_wait3A_72 : memref<1x!tpu.dma_semaphore, #tpu.memory_space<semaphore_mem>> -> memref<!tpu.dma_semaphore, #tpu.memory_space<semaphore_mem>>
    %dma_wait3A_74 = arith.constant 0 : i32
    %dma_wait3A_75 = tpu.memref_slice %arg4[%arg0, %arg1, %dma_wait3A_64, %dma_wait3A_74] : memref<2x16x32x16384xf32, #tpu.memory_space<hbm>> -> memref<1x1x1x16384xf32, #tpu.memory_space<hbm>>
    %dma_wait3A_76 = tpu.memref_squeeze %dma_wait3A_75 : memref<1x1x1x16384xf32, #tpu.memory_space<hbm>> -> memref<16384xf32, #tpu.memory_space<hbm>>
    %dma_wait3A_77 = arith.constant 0 : i32
    %dma_wait3A_78 = tpu.memref_slice %arg7[%dma_wait3A_63, %dma_wait3A_77] : memref<2x16384xf32, #tpu.memory_space<vmem>> -> memref<1x16384xf32, #tpu.memory_space<vmem>>
    %dma_wait3A_79 = tpu.memref_squeeze %dma_wait3A_78 : memref<1x16384xf32, #tpu.memory_space<vmem>> -> memref<16384xf32, #tpu.memory_space<vmem>>
    tpu.wait_dma2 semaphore(%dma_wait3A_73 : memref<!tpu.dma_semaphore, #tpu.memory_space<semaphore_mem>>) src(%dma_wait3A_79 : memref<16384xf32, #tpu.memory_space<vmem>>) dst(%dma_wait3A_76 : memref<16384xf32, #tpu.memory_space<hbm>>)
    return
  }
}

</mosaic_0001>

<sc_bundles>
// kernel: kernel.3.cloned.1.call-start
scs
__scs_entry_jumppad:
0x0: {  	(pc) =	sbr.rel $0x88, $3  }
0x1: {  	(tag) =	ssettag $0x0;
	lr =	simm.s32 $0x1  }
0x2: {  	[smem:$0x3F9F] =	sst lr;
	_ =	strace $0xD0000000  }
0x3: {  	_ = 	snop  }
0x4: {  	_ = 	snop  }
0x5: {  	_ = 	snop  }
0x6: {  	_ = 	snop  }
0x7: {  	_ = 	snop  }
__scs_overlays_trampoline_lowered:
0x8: {  	[smem:$0x3FAE] =	sst s0  }
0x9: {  	[smem:$0x3FAF] =	sst s1  }
0xa: {  	[smem:$0x3FB0] =	sst s2  }
0xb: {  	[smem:$0x3FB1] =	sst s3  }
0xc: {  	[smem:$0x3FB2] =	sst s4  }
0xd: {  	[smem:$0x3FB3] =	sst s5  }
0xe: {  	[smem:$0x3FB4] =	sst s6  }
0xf: {  	[smem:$0x3FB5] =	sst s7  }
0x10: {  	[smem:$0x3FB6] =	sst s8  }
0x11: {  	[smem:$0x3FB7] =	sst s9;
	s0 =	simm.s32 @!p0 $0x0  }
0x12: {  	s1 =	sld [smem:$0x3F9D];
	s0 =	simm.s32 @p0 $0x1  }
0x13: {  	[smem:$0x3FB8] =	sst s0;
	s0 =	simm.s32 @!p1 $0x0  }
0x14: {  	s2 =	sld [smem:$0x3F9C];
	s0 =	simm.s32 @p1 $0x1  }
0x15: {  	[smem:$0x3FB9] =	sst s0;
	s0 =	simm.s32 @!p2 $0x0  }
0x16: {  	s3 =	sld [smem:$0x3FDB];
	s0 =	simm.s32 @p2 $0x1  }
0x17: {  	s4 =	simm.s32 $0x1BF5;
	[smem:$0x3FBB] =	sst s0  }
0x18: {  	s0 =	sld [smem:$0x3F9E];
	_ =	swait.ge [sflag:s4], $0x0  }
0x19: {  	s7 =	sld [smem:$0x3F9F]  }
0x1a: {  	s8 =	sadd.s32 $0xFFFFE003, lr  }
0x1b: {  	s9 =	sadd.s32 $0xFFFFFEF7, lr;
	s5 =	simm.s32 $0xFFFFFFFF;
	p2 =	slt.u32 s8, $0xFFFFF086  }
0x1c: {  	p1 =	slt.u32 s9, $0xF7A;
	s5 =	simm.s32 @!p2 $0x0  }
0x1d: {  	s5 =	simm.s32 @p1 $0x1;
	p0 =	seq.s32 s7, s2  }
0x1e: {  	s7 =	smul.u32 @!p0 $0xF7A, s2;
	p2 =	seq.s32 @!p0 s5, $0x0  }
0x1f: {  	s9 =	smul.u32 $0xF7A, s1;
	s8 =	simm.s32 @!p0 $0x1BF5;
	p2 =	por !p2, p0  }
0x20: {  	[sflag:s8] =	ssyncset.s32 @!p0 $0xFFFFF086;
	s6 =	sadd.s32 @!p0 s3, s7;
	s7 =	simm.s32 @!p0 $0x108  }
0x21: {  	s3 =	sadd.s32 s3, s9;
	s6 =	sadd.s32 @!p0 $0x88, s6;
	s7 =	simm.s32 @p2 $0x1082  }
0x22: {  	[simem:s7], [sflag:s8] =	dma.local @!p0 [hbm:s6], $0xF7A  }
0x23: {  	s9 =	sor.u32 $0xD0000000, s2;
	s6 =	simm.s32 $0x108;
	_ =	swait.ge @!p0 [sflag:s8], $0x0  }
0x24: {  	s3 =	sadd.s32 $0x88, s3;
	s6 =	simm.s32 @!p1 $0x1082;
	[sflag:s4] =	ssyncset.s32 $0xFFFFF086  }
0x25: {  	[simem:s6], [sflag:s4] =	dma.local [hbm:s3], $0xF7A  }
0x26: {  	[smem:$0x3F9F] =	sst s1;
	(tag) =	ssettag s2;
	_ =	strace s9  }
0x27: {  	s1 =	sld [smem:$0x3FAF]  }
0x28: {  	s2 =	sld [smem:$0x3FB0]  }
0x29: {  	s4 =	sld [smem:$0x3FB2]  }
0x2a: {  	p0 =	seq.s32 s5, $0x0;
	s5 =	sld [smem:$0x3FB3]  }
0x2b: {  	s6 =	sld [smem:$0x3FB4]  }
0x2c: {  	s7 =	sld [smem:$0x3FB5]  }
0x2d: {  	s3 =	simm.s32 $0x108;
	s8 =	sld [smem:$0x3FB6]  }
0x2e: {  	s3 =	simm.s32 @!p0 $0x1082;
	s9 =	sld [smem:$0x3FB7]  }
0x2f: {  	lr =	sadd.s32 s0, s3;
	s0 =	sld [smem:$0x3FAE]  }
0x30: {  	s3 =	sld [smem:$0x3FB1]  }
0x31: {  	[smem:$0x3FBA] =	sst s10  }
0x32: {  	s10 =	sld [smem:$0x3FB8];
	_ =	sdelay $0x3  }
0x33: {  	p0 =	seq.s32 s10, $0x1;
	s10 =	sld [smem:$0x3FBA];
	_ =	sdelay $0x3  }
0x34: {  	[smem:$0x3FBA] =	sst s10  }
0x35: {  	s10 =	sld [smem:$0x3FB9];
	_ =	sdelay $0x3  }
0x36: {  	p1 =	seq.s32 s10, $0x1;
	s10 =	sld [smem:$0x3FBA];
	_ =	sdelay $0x3  }
0x37: {  	[smem:$0x3FBA] =	sst s10  }
0x38: {  	s10 =	sld [smem:$0x3FBB]  }
0x39: {  	_ = 	snop;
	(pc) =	sbr.ind lr, $3  }
0x3a: {  	_ = 	snop  }
0x3b: {  	_ = 	snop  }
0x3c: {  	p2 =	seq.s32 s10, $0x1;
	s10 =	sld [smem:$0x3FBA]  }
0x3d: {  	_ =	shalt  }
0x3e: {  	_ =	shalt  }
0x3f: {  	_ =	shalt  }
0x40: {  	_ =	shalt  }
0x41: {  	_ =	shalt  }
0x42: {  	_ =	shalt  }
0x43: {  	_ =	shalt  }
0x44: {  	_ =	shalt  }
0x45: {  	_ =	shalt  }
0x46: {  	_ =	shalt  }
0x47: {  	_ =	shalt  }
0x48: {  	_ =	shalt  }
0x49: {  	_ =	shalt  }
0x4a: {  	_ =	shalt  }
0x4b: {  	_ =	shalt  }
0x4c: {  	_ =	shalt  }
0x4d: {  	_ =	shalt  }
0x4e: {  	_ =	shalt  }
0x4f: {  	_ =	shalt  }
0x50: {  	_ =	shalt  }
0x51: {  	_ =	shalt  }
0x52: {  	_ =	shalt  }
0x53: {  	_ =	shalt  }
0x54: {  	_ =	shalt  }
0x55: {  	_ =	shalt  }
0x56: {  	_ =	shalt  }
0x57: {  	_ =	shalt  }
0x58: {  	_ =	shalt  }
0x59: {  	_ =	shalt  }
0x5a: {  	_ =	shalt  }
0x5b: {  	_ =	shalt  }
0x5c: {  	_ =	shalt  }
0x5d: {  	_ =	shalt  }
0x5e: {  	_ =	shalt  }
0x5f: {  	_ =	shalt  }
0x60: {  	_ =	shalt  }
0x61: {  	_ =	shalt  }
0x62: {  	_ =	shalt  }
0x63: {  	_ =	shalt  }
0x64: {  	_ =	shalt  }
0x65: {  	_ =	shalt  }
0x66: {  	_ =	shalt  }
0x67: {  	_ =	shalt  }
0x68: {  	_ =	shalt  }
0x69: {  	_ =	shalt  }
0x6a: {  	_ =	shalt  }
0x6b: {  	_ =	shalt  }
0x6c: {  	_ =	shalt  }
0x6d: {  	_ =	shalt  }
0x6e: {  	_ =	shalt  }
0x6f: {  	_ =	shalt  }
0x70: {  	_ =	shalt  }
0x71: {  	_ =	shalt  }
0x72: {  	_ =	shalt  }
0x73: {  	_ =	shalt  }
0x74: {  	_ =	shalt  }
0x75: {  	_ =	shalt  }
0x76: {  	_ =	shalt  }
0x77: {  	_ =	shalt  }
0x78: {  	_ =	shalt  }
0x79: {  	_ =	shalt  }
0x7a: {  	_ =	shalt  }
0x7b: {  	_ =	shalt  }
0x7c: {  	_ =	shalt  }
0x7d: {  	_ =	shalt  }
0x7e: {  	_ =	shalt  }
0x7f: {  	_ =	shalt  }
0x80: {  	_ =	shalt  }
0x81: {  	_ =	shalt  }
0x82: {  	_ =	shalt  }
0x83: {  	_ =	shalt  }
0x84: {  	_ =	shalt  }
0x85: {  	_ =	shalt  }
0x86: {  	_ =	shalt  }
0x87: {  	_ =	shalt  }
.Lfunc_end0:
.L_simem_size_0:
called_computation.1_lowered:
.L_overlay_start_0:
0x88: {  	s2 =	sld [smem:$0x3FD9]  }
0x89: {  	s3 =	sld [smem:$0x3FFE];
	_ =	sdelay $0x1  }
0x8a: {  	s1 =	srdreg.scid  }
0x8b: {  	s0 =	sand.u32 $0x1, s1  }
0x8c: {  	s17 =	sshll.u32 s0, $0xA;
	s2 =	sadd.s32 s3, s2  }
0x8d: {  	s2 =	sadd.s32 s2, s17  }
0x8e: {  	[smem:$0x3FC6] =	sst s2  }
0x8f: {  	_ = 	snop  }
0x90: {  	s2 =	sld [smem:$0x3FD0];
	(tm) =	ssettm $0x1  }
0x91: {  	s18 =	sld [smem:$0x3FFB];
	_ =	sdelay $0x3  }
0x92: {  	_ =	strace s18  }
0x93: {  	s3 =	sld [smem:$0x3FFC];
	_ =	sdelay $0x3  }
0x94: {  	_ =	strace s3  }
0x95: {  	s3 =	sld [smem:$0x3FFD];
	_ =	sdelay $0x3  }
0x96: {  	_ =	strace s3  }
0x97: {  	_ =	strace $0x8FFFFFFF  }
0x98: {  	s19 =	sld [smem:$0x3FDB];
	_ =	sdelay $0x1  }
0x99: {  	s4 =	simm.s32 $_scs_section_size  }
0x9a: {  	s5 =	simm.s32 $_size__tile_overlayer_lowered;
	s6 =	simm.s32 $_tile_overlayer_lowered  }
0x9b: {  	s22 =	simm.s32 $0x1BFF;
	s21 =	sshll.u32 s6, $0x1;
	s3 =	sadd.s32 s4, s19  }
0x9c: {  	s7 =	simm.s32 $0x0;
	s20 =	sshll.u32 s5, $0x1;
	s5 =	sadd.s32 s21, s3  }
0x9d: {  	[timem:s7], [sflag:s22] =	dma.local [hbm:s5], s20  }
0x9e: {  	_ =	swait.ge [sflag:s22], s20  }
0x9f: {  	s4 =	ssub.s32 $0x0, s20;
	[sflag:s22] =	ssyncset.done $0x0  }
0xa0: {  	[sflag:s22] =	ssyncadd.s32 s4;
	_ =	sdelay $0x1  }
0xa1: {  	s23 =	simm.s32 $0x1B8B  }
0xa2: {  	_ =	swait.ge [sflag:s23], $0x1  }
0xa3: {  	[sflag:s23] =	ssyncset.done $0x0  }
0xa4: {  	s25 =	simm.s32 $0x1B8E;
	s24 =	sld [smem:$0x3FFE];
	[sflag:s23] =	ssyncadd.s32 $0xFFFFFFFF  }
0xa5: {  	s26 =	simm.s32 $execute0_lowered;
	[smem:$0x3FD2] =	sst s25  }
0xa6: {  	s5 =	sshll.u32 s26, $0x1;
	_ =	strace $0x80000046;
	[dreg:$0x1] =	wrdreg $0xFFFFFFFF  }
0xa7: {  	s28 =	simm.s32 $_size_execute0_lowered;
	s3 =	sadd.s32 s3, s5;
	[dreg:$0x0] =	wrdreg $0x0  }
0xa8: {  	s5 =	sshll.u32 s28, $0x1;
	[dreg:$0x2] =	wrdreg s3  }
0xa9: {  	[dreg:$0x3] =	wrdreg s5  }
0xaa: {  	[dreg:$0x4] =	wrdreg $0xC0  }
0xab: {  	_ =	task [dreg:s7], $0x5FFFF  }
0xac: {  	[dreg:$0x1] =	wrdreg $0xFFFFFFFF  }
0xad: {  	[dreg:$0x0] =	wrdreg $0x60  }
0xae: {  	[dreg:$0x2] =	wrdreg s2  }
0xaf: {  	[dreg:$0x3] =	wrdreg s24  }
0xb0: {  	[dreg:$0x4] =	wrdreg $0x9  }
0xb1: {  	_ =	task.clear_ibuf [dreg:s7], $0x5FFFF;
	_ =	strace $0x90000046  }
0xb2: {  	s29 =	simm.s32 $0x9;
	_ =	strace $0x80000048  }
0xb3: {  	_ =	swait.ge [sflag:s29], $0x1  }
0xb4: {  	[sflag:s29] =	ssyncadd.s32 $0xFFFFFFFF  }
0xb5: {  	_ =	strace $0x90000048  }
0xb6: {  	_ =	sfence  }
0xb7: {  	s30 =	sld [smem:$0x0];
	_ =	sdelay $0x2  }
0xb8: {  	s31 =	sshll.u32 s1, $0xD;
	s1 =	sshrl.u32 s1, $0x2  }
0xb9: {  	s3 =	sand.u32 $0x4000, s31;
	s1 =	sadd.s32 s1, s30  }
0xba: {  	s0 =	sor.u32 s3, s0;
	s1 =	sshll.u32 s1, $0x11  }
0xbb: {  	s0 =	sor.u32 s1, s0  }
0xbc: {  	s0 =	sadd.s32 $0x8F2B, s0  }
0xbd: {  	[sflag:s0] =	ssyncadd.remote.s32 $0x1  }
0xbe: {  	_ =	sfence.sel $0xFFFF  }
0xbf: {  	[dreg:$0x0] =	wrdreg $0xFFFFFFFF;
	(pc) =	sbr.abs _section_cstart, $3  }
0xc0: {  	[dreg:$0x1] =	wrdreg $0xFFFFFFFF  }
0xc1: {  	_ =	task.clear_ibuf [dreg:s7], $0x2FFFF;
	_ =	strace $0x9FFFFFFF  }
0xc2: {  	(tm) =	ssettm $0x7FFFFFFF  }
0xc3: {  	_ =	shalt  }
tec
execute0_lowered:
.L_overlay_start_1:
0x0: {  	(tag) =	ssettag $0x1  }
0x1: {  	s0 =	rddreg [dreg:$0x0]  }
0x2: {  	s1 =	rddreg [dreg:$0x1];
	s4 =	stileid.u32  }
0x3: {  	s2 =	srdreg.scid;
	s3 =	sshll.u32 s4, $0x10;
	s4 =	sshll.u32 s4, $0x9  }
0x4: {  	s5 =	sand.u32 $0x1, s2;
	s2 =	simm.s32 $0x0;
	s7 =	sadd.s32 $0x800, s1  }
0x5: {  	s4 =	sor.u32 s4, s3;
	s6 =	sshll.u32 s5, $0x14;
	s5 =	ssub.s32 $0x2, s5  }
0x6: {  	[smem:$0x7FF] =	sst s2;
	s4 =	sand.u32 $0xE0200, s4;
	s24 =	sshrl.u32 s5, $0x1  }
0x7: {  	_ =	strace $0x80000047;
	s4 =	sor.u32 s6, s4;
	s26 =	ssub.s32 s5, s24  }
0x8: {  	[dreg:$0x4] =	wrdreg s7;
	s4 =	sshrl.u32 s4, $0x3;
	s31 =	smax.u32 s26, $0x1  }
0x9: {  	s4 =	sadd.s32 s0, s4;
	[dreg:$0xa] =	wrdreg s31  }
0xa: {  	v2 =	vlaneseq.u32;
	s28 =	sadd.s32 $0x10, s4;
	[dreg:$0x5] =	wrdreg s4  }
0xb: {  	v0 =	vshrl.u32 v2, $0x3;
	s25 =	sadd.s32 s3, s1;
	s29 =	sadd.s32 $0x20, s4;
	[dreg:$0x6] =	wrdreg s28  }
0xc: {  	v1 =	vimm.s32 $0x0;
	v2 =	vand.u32 $0x7, v2;
	v3 =	vor.u32 $0x2, v0;
	s0 =	sadd.s32 s6, s25;
	s30 =	sadd.s32 $0x30, s4;
	[dreg:$0x7] =	wrdreg s29  }
0xd: {  	v4 =	vor.u32 $0x4, v0;
	v5 =	vor.u32 $0x6, v0;
	v6 =	vor.u32 $0x8, v0;
	s0 =	sadd.s32 $0xA00, s0;
	[dreg:$0x8] =	wrdreg s30  }
0xe: {  	s16 =	simm.s32 $0x10000;
	v7 =	vor.u32 $0xA, v0;
	v8 =	vor.u32 $0xC, v0;
	v9 =	vor.u32 $0xE, v0;
	s3 =	simm.s32 $0x0;
	[dreg:$0x9] =	wrdreg s0  }
.LBB2_1:
0xf: {  	[dreg:$0xb] =	wrdreg s3  }
0x10: {  	s0 =	rddreg [dreg:$0x5]  }
0x11: {  	s1 =	simm.s32 $0x80;
	s24 =	simm.s32 $0x400;
	s4 =	simm.s32 $0x3  }
0x12: {  	[tilespmem:s2], [sflag:$0x3] =	stream.strided.gather [hbm4b:s0+s1], $0x4000, s24, s1, $0x38;
	[tilespmem:$0x18080] =	vst v63  }
0x13: {  	_ =	swait.ge [sflag:s4], $0x4000  }
0x14: {  	[sflag:s4] =	ssyncset.done $0x0  }
0x15: {  	s5 =	simm.s32 $0x4000;
	s25 =	rddreg [dreg:$0x6];
	[sflag:s4] =	ssyncadd.s32 $0xFFFFC000  }
0x16: {  	[tilespmem:s5], [sflag:$0x3] =	stream.strided.gather [hbm4b:s25+s1], $0x4000, s24, s1, $0x38;
	[tilespmem:$0x18080] =	vst v63  }
0x17: {  	_ =	swait.ge [sflag:s4], $0x4000  }
0x18: {  	[sflag:s4] =	ssyncset.done $0x0  }
0x19: {  	s28 =	simm.s32 $0x8000;
	s26 =	rddreg [dreg:$0x7];
	[sflag:s4] =	ssyncadd.s32 $0xFFFFC000  }
0x1a: {  	[tilespmem:s28], [sflag:$0x3] =	stream.strided.gather [hbm4b:s26+s1], $0x4000, s24, s1, $0x38;
	[tilespmem:$0x18080] =	vst v63  }
0x1b: {  	_ =	swait.ge [sflag:s4], $0x4000  }
0x1c: {  	[sflag:s4] =	ssyncset.done $0x0  }
0x1d: {  	s30 =	simm.s32 $0xC000;
	s29 =	rddreg [dreg:$0x8];
	[sflag:s4] =	ssyncadd.s32 $0xFFFFC000  }
0x1e: {  	[tilespmem:s30], [sflag:$0x3] =	stream.strided.gather [hbm4b:s29+s1], $0x4000, s24, s1, $0x38;
	[tilespmem:$0x18080] =	vst v63  }
0x1f: {  	_ =	swait.ge [sflag:s4], $0x4000  }
0x20: {  	[sflag:s4] =	ssyncset.done $0x0  }
0x21: {  	s31 =	rddreg [dreg:$0x4];
	[sflag:s4] =	ssyncadd.s32 $0xFFFFC000  }
0x22: {  	[tilespmem:s16], [sflag:$0x3] =	stream.linear.gather [hbm4b:s31+s2], $0x80, $0x38;
	[tilespmem:$0x18080] =	vst v63  }
0x23: {  	_ =	swait.ge [sflag:s4], $0x80  }
0x24: {  	[sflag:s4] =	ssyncset.done $0x0  }
0x25: {  	p0 =	por $0x0, $0x0;
	s6 =	simm.s32 $0x0;
	[sflag:s4] =	ssyncadd.s32 $0xFFFFFF80  }
.LBB2_2:
0x26: {  	s7 =	sand.u32 $0x1, s6;
	p1 =	slt.u32 s6, $0x2;
	[dreg:$0xc] =	wrdreg s6  }
0x27: {  	s1 =	sshll.u32 s6, $0xB;
	s3 =	simm.s32 $0x0;
	s0 =	sadd.s32 @!p1 $0x1, s7  }
0x28: {  	_ =	swait.ge @!p1 [sflag:s0], $0x4000;
	[dreg:$0xe] =	wrdreg s1;
	s1 =	sshrl.u32 s1, $0x2  }
0x29: {  	s4 =	simm.s32 $0x0;
	s5 =	simm.s32 $0x0;
	[dreg:$0x3] =	wrdreg s1  }
0x2a: {  	s8 =	sand.u32 $0x3, s3;
	s9 =	sand.u32 $0x3FFFC000, s4;
	s1 =	rddreg [dreg:$0x3]  }
0x2b: {  	s10 =	sand.u32 $0x6, s5;
	s11 =	sshll.u32 s8, $0x7;
	s1 =	sadd.s32 s9, s1  }
0x2c: {  	s12 =	sshll.u32 s10, $0x4;
	[sflag:s0] =	ssyncset.done @!p1 $0x0;
	s1 =	sadd.s32 s11, s1  }
0x2d: {  	[sflag:s0] =	ssyncadd.s32 @!p1 $0xFFFFC000;
	s3 =	sadd.s32 s12, s1  }
0x2e: {  	v10 =	vld [tilespmem:s3+$0x0];
	_ =	sdelay $0x4  }
0x2f: {  	vm0 =	vge.f32 v10, $-1.000000000e+03;
	vm1 =	vge.f32 v10, $-7.500000000e+01  }
0x30: {  	vm2 =	vge.f32 v10, $1.500000000e+01;
	v11 =	vsel vm0, $0x1, v1;
	v12 =	vsel vm1, $0x1, v1  }
0x31: {  	vm13 =	vge.f32 v10, $0.0e+00;
	v13 =	vsel vm2, $0x1, v1;
	v11 =	vadd.s32 v12, v11  }
0x32: {  	vm14 =	vge.f32 v10, $4.000000000e+01;
	v30 =	vsel vm13, $0x1, v1;
	v11 =	vadd.s32 v13, v11  }
0x33: {  	vm15 =	vge.f32 v10, $2.500000000e+01;
	v31 =	vsel vm14, $0x1, v1;
	v11 =	vadd.s32 v30, v11  }
0x34: {  	vm4 =	vge.f32 v10, $2.000000000e+02;
	v32 =	vsel vm15, $0x1, v1;
	v11 =	vadd.s32 v31, v11  }
0x35: {  	vm5 =	vge.f32 v10, $5.000000000e+01;
	v33 =	vsel vm4, $0x1, v1;
	v11 =	vadd.s32 v32, v11  }
0x36: {  	vm6 =	vge.f32 v10, $1.000000000e+03;
	v10 =	vsel vm5, $0x1, v1;
	v11 =	vadd.s32 v33, v11  }
0x37: {  	v34 =	vsel vm6, $0x1, v1;
	v10 =	vadd.s32 v10, v11  }
0x38: {  	v10 =	vadd.s32 v34, v10  }
0x39: {  	v11 =	vshll.u32 v10, $0x3  }
0x3a: {  	v10 =	vperm.xlane v11, v0;
	_ =	sdelay $0x1  }
0x3b: {  	v10 =	vadd.s32 v2, v10;
	_ =	sdelay $0x1  }
0x3c: {  	s13 =	simm.s32 $0x0  }
0x3d: {  	s14 =	sshll.u32 s10, $0xB;
	s0 =	sand.u32 $0xFFFFFC00, s13  }
0x3e: {  	s1 =	sadd.s32 s0, s14;
	v35 =	vperm.xlane v11, v3  }
0x3f: {  	s0 =	sshll.u32 s1, $0x1;
	v10 =	vld.idx.msk [tilespmem:v10+s16+$0x0], $0xffff  }
0x40: {  	s15 =	sand.u32 $0x3FFFF800, s0;
	v12 =	vadd.s32 v2, v35  }
0x41: {  	s23 =	sshll.u32 s7, $0x7;
	s17 =	sadd.s32 $0x10080, s15  }
0x42: {  	s19 =	sshll.u32 s8, $0x5;
	s18 =	sadd.s32 s23, s17  }
0x43: {  	s0 =	sadd.s32 s19, s18  }
0x44: {  	v36 =	vperm.xlane v11, v4;
	[tilespmem:s0+$0x0] =	vst v10  }
0x45: {  	v10 =	vmov s23;
	v12 =	vld.idx.msk [tilespmem:v12+s16+$0x0], $0xffff  }
0x46: {  	v13 =	vadd.s32 v2, v36;
	_ =	sdelay $0x2  }
0x47: {  	s6 =	sor.u32 s19, s17  }
0x48: {  	v14 =	vperm.xlane v11, v5;
	[tilespmem:v10+s6+$0x10 ss:$0x1] =	vst.idx.msk $0xffff, v12  }
0x49: {  	v12 =	vld.idx.msk [tilespmem:v13+s16+$0x0], $0xffff  }
0x4a: {  	v37 =	vadd.s32 v2, v14;
	_ =	sdelay $0x3  }
0x4b: {  	v38 =	vperm.xlane v11, v6;
	[tilespmem:s0+$0x100] =	vst v12  }
0x4c: {  	s1 =	sor.u32 s19, s1;
	v12 =	vld.idx.msk [tilespmem:v37+s16+$0x0], $0xffff  }
0x4d: {  	s20 =	sor.u32 $0x90, s1;
	v39 =	vadd.s32 v2, v38  }
0x4e: {  	s21 =	sshll.u32 s20, $0x1  }
0x4f: {  	[dreg:$0xd] =	wrdreg s7;
	s7 =	sand.u32 $0x7FFFF900, s21;
	s6 =	sand.u32 $0x70, s20  }
0x50: {  	s6 =	sor.u32 s6, s7  }
0x51: {  	v40 =	vperm.xlane v11, v7;
	[tilespmem:v10+s6+$0x10080 ss:$0x1] =	vst.idx.msk $0xffff, v12  }
0x52: {  	v12 =	vld.idx.msk [tilespmem:v39+s16+$0x0], $0xffff  }
0x53: {  	v41 =	vadd.s32 v2, v40;
	_ =	sdelay $0x3  }
0x54: {  	v42 =	vperm.xlane v11, v8;
	[tilespmem:s0+$0x200] =	vst v12  }
0x55: {  	v12 =	vld.idx.msk [tilespmem:v41+s16+$0x0], $0xffff  }
0x56: {  	s22 =	sor.u32 $0x110, s1;
	v43 =	vadd.s32 v2, v42  }
0x57: {  	s24 =	sshll.u32 s22, $0x1  }
0x58: {  	s7 =	sand.u32 $0x7FFFFA00, s24;
	s6 =	sand.u32 $0x70, s22  }
0x59: {  	s6 =	sor.u32 s6, s7  }
0x5a: {  	v11 =	vperm.xlane v11, v9;
	[tilespmem:v10+s6+$0x10080 ss:$0x1] =	vst.idx.msk $0xffff, v12  }
0x5b: {  	v12 =	vld.idx.msk [tilespmem:v43+s16+$0x0], $0xffff  }
0x5c: {  	v11 =	vadd.s32 v2, v11;
	_ =	sdelay $0x3  }
0x5d: {  	[tilespmem:s0+$0x300] =	vst v12  }
0x5e: {  	v11 =	vld.idx.msk [tilespmem:v11+s16+$0x0], $0xffff  }
0x5f: {  	s25 =	sor.u32 $0x190, s1  }
0x60: {  	s26 =	sshll.u32 s25, $0x1  }
0x61: {  	s7 =	sand.u32 $0x7FFFFB00, s26;
	s6 =	sand.u32 $0x70, s25  }
0x62: {  	s6 =	sor.u32 s6, s7  }
0x63: {  	[tilespmem:v10+s6+$0x10080 ss:$0x1] =	vst.idx.msk $0xffff, v11  }
0x64: {  	v11 =	vld [tilespmem:s3+$0x10];
	_ =	sdelay $0x4  }
0x65: {  	vm7 =	vge.f32 v11, $-1.000000000e+03;
	vm8 =	vge.f32 v11, $-7.500000000e+01  }
0x66: {  	vm9 =	vge.f32 v11, $1.500000000e+01;
	v44 =	vsel vm7, $0x1, v1;
	v45 =	vsel vm8, $0x1, v1  }
0x67: {  	vm10 =	vge.f32 v11, $0.0e+00;
	v46 =	vsel vm9, $0x1, v1;
	v12 =	vadd.s32 v45, v44  }
0x68: {  	vm11 =	vge.f32 v11, $4.000000000e+01;
	v47 =	vsel vm10, $0x1, v1;
	v12 =	vadd.s32 v46, v12  }
0x69: {  	vm12 =	vge.f32 v11, $2.500000000e+01;
	v48 =	vsel vm11, $0x1, v1;
	v12 =	vadd.s32 v47, v12  }
0x6a: {  	vm13 =	vge.f32 v11, $2.000000000e+02;
	v49 =	vsel vm12, $0x1, v1;
	v12 =	vadd.s32 v48, v12  }
0x6b: {  	vm14 =	vge.f32 v11, $5.000000000e+01;
	v50 =	vsel vm13, $0x1, v1;
	v12 =	vadd.s32 v49, v12  }
0x6c: {  	vm15 =	vge.f32 v11, $1.000000000e+03;
	v11 =	vsel vm14, $0x1, v1;
	v12 =	vadd.s32 v50, v12  }
0x6d: {  	v51 =	vsel vm15, $0x1, v1;
	v11 =	vadd.s32 v11, v12  }
0x6e: {  	v11 =	vadd.s32 v51, v11  }
0x6f: {  	v11 =	vshll.u32 v11, $0x3  }
0x70: {  	v52 =	vperm.xlane v11, v0;
	_ =	sdelay $0x1  }
0x71: {  	v12 =	vadd.s32 v2, v52;
	_ =	sdelay $0x3  }
0x72: {  	v53 =	vperm.xlane v11, v3  }
0x73: {  	v12 =	vld.idx.msk [tilespmem:v12+s16+$0x0], $0xffff  }
0x74: {  	v13 =	vadd.s32 v2, v53;
	_ =	sdelay $0x1  }
0x75: {  	s4 =	sor.u32 s23, s15  }
0x76: {  	s3 =	sadd.s32 s19, s4  }
0x77: {  	v54 =	vperm.xlane v11, v4;
	[tilespmem:s3+$0x10480] =	vst v12  }
0x78: {  	v12 =	vld.idx.msk [tilespmem:v13+s16+$0x0], $0xffff  }
0x79: {  	s5 =	sor.u32 $0x210, s1;
	v55 =	vadd.s32 v2, v54  }
0x7a: {  	s6 =	sshll.u32 s5, $0x1  }
0x7b: {  	s4 =	sand.u32 $0x7FFFFC00, s6;
	s3 =	sand.u32 $0x70, s5  }
0x7c: {  	s3 =	sor.u32 s3, s4  }
0x7d: {  	v56 =	vperm.xlane v11, v5;
	[tilespmem:v10+s3+$0x10080 ss:$0x1] =	vst.idx.msk $0xffff, v12  }
0x7e: {  	v12 =	vld.idx.msk [tilespmem:v55+s16+$0x0], $0xffff  }
0x7f: {  	v57 =	vadd.s32 v2, v56;
	_ =	sdelay $0x3  }
0x80: {  	v58 =	vperm.xlane v11, v6;
	[tilespmem:s0+$0x500] =	vst v12  }
0x81: {  	v12 =	vld.idx.msk [tilespmem:v57+s16+$0x0], $0xffff  }
0x82: {  	s7 =	sor.u32 $0x290, s1;
	v59 =	vadd.s32 v2, v58  }
0x83: {  	s8 =	sshll.u32 s7, $0x1  }
0x84: {  	s4 =	sand.u32 $0x7FFFFD00, s8;
	s3 =	sand.u32 $0x70, s7  }
0x85: {  	s3 =	sor.u32 s3, s4  }
0x86: {  	v60 =	vperm.xlane v11, v7;
	[tilespmem:v10+s3+$0x10080 ss:$0x1] =	vst.idx.msk $0xffff, v12  }
0x87: {  	v12 =	vld.idx.msk [tilespmem:v59+s16+$0x0], $0xffff  }
0x88: {  	v61 =	vadd.s32 v2, v60;
	_ =	sdelay $0x3  }
0x89: {  	v62 =	vperm.xlane v11, v8;
	[tilespmem:s0+$0x600] =	vst v12  }
0x8a: {  	v12 =	vld.idx.msk [tilespmem:v61+s16+$0x0], $0xffff  }
0x8b: {  	s9 =	sor.u32 $0x310, s1;
	v63 =	vadd.s32 v2, v62  }
0x8c: {  	s29 =	simm.s32 $0x2;
	s10 =	sshll.u32 s9, $0x1  }
0x8d: {  	s11 =	sand.u32 $0x6, s29;
	s5 =	sand.u32 $0x7FFFFE00, s10;
	s3 =	sand.u32 $0x70, s9  }
0x8e: {  	s12 =	simm.s32 $0x40;
	s14 =	simm.s32 $0x0;
	s3 =	sor.u32 s3, s5  }
0x8f: {  	s13 =	sshll.u32 s11, $0xB;
	s28 =	sand.u32 $0x3, s14;
	s18 =	simm.s32 $0x400;
	v11 =	vperm.xlane v11, v9;
	[tilespmem:v10+s3+$0x10080 ss:$0x1] =	vst.idx.msk $0xffff, v12  }
0x90: {  	s17 =	rddreg [dreg:$0x3];
	s20 =	sand.u32 $0x3FFFC000, s18;
	s5 =	sand.u32 $0xFFFFFC00, s12;
	v12 =	vld.idx.msk [tilespmem:v63+s16+$0x0], $0xffff  }
0x91: {  	s21 =	sadd.s32 s20, s17;
	s22 =	sshll.u32 s28, $0x7;
	v11 =	vadd.s32 v2, v11;
	s26 =	sadd.s32 s5, s13  }
0x92: {  	s1 =	sor.u32 $0x390, s1;
	s4 =	simm.s32 $0x1;
	s19 =	sshll.u32 s26, $0x1  }
0x93: {  	s15 =	sshll.u32 s1, $0x1;
	s4 =	simm.s32 @!p0 $0x0;
	s25 =	sand.u32 $0x3FFFF800, s19  }
0x94: {  	s1 =	sand.u32 $0x70, s1;
	s4 =	sshll.u32 s4, $0x7;
	s30 =	sadd.s32 $0x10080, s25  }
0x95: {  	s24 =	sadd.s32 $0x10080, s4;
	s31 =	sadd.s32 s23, s30;
	s3 =	sand.u32 $0x7FFFFF00, s15;
	[tilespmem:s0+$0x700] =	vst v12  }
0x96: {  	s15 =	sor.u32 s1, s3;
	s1 =	sshll.u32 s11, $0x4;
	s0 =	sadd.s32 s22, s21;
	v11 =	vld.idx.msk [tilespmem:v11+s16+$0x0], $0xffff  }
.LBB2_3:
0x97: {  	_ =	sdelay $0x3  }
0x98: {  	s6 =	sadd.s32 s1, s0;
	[tilespmem:v10+s15+$0x10080 ss:$0x1] =	vst.idx.msk $0xffff, v11  }
0x99: {  	v11 =	vld [tilespmem:s6+$0x0];
	_ =	sdelay $0x4  }
0x9a: {  	vm0 =	vge.f32 v11, $-1.000000000e+03;
	vm1 =	vge.f32 v11, $-7.500000000e+01;
	vm2 =	vge.f32 v11, $1.500000000e+01  }
0x9b: {  	vm13 =	vge.f32 v11, $0.0e+00;
	v12 =	vsel vm0, $0x1, v1;
	v13 =	vsel vm1, $0x1, v1  }
0x9c: {  	vm14 =	vge.f32 v11, $4.000000000e+01;
	v14 =	vsel vm2, $0x1, v1;
	v12 =	vadd.s32 v13, v12  }
0x9d: {  	vm15 =	vge.f32 v11, $2.500000000e+01;
	v29 =	vsel vm13, $0x1, v1;
	v12 =	vadd.s32 v14, v12  }
0x9e: {  	vm4 =	vge.f32 v11, $2.000000000e+02;
	v30 =	vsel vm14, $0x1, v1;
	v12 =	vadd.s32 v29, v12  }
0x9f: {  	vm5 =	vge.f32 v11, $5.000000000e+01;
	v31 =	vsel vm15, $0x1, v1;
	v12 =	vadd.s32 v30, v12  }
0xa0: {  	vm6 =	vge.f32 v11, $1.000000000e+03;
	v32 =	vsel vm4, $0x1, v1;
	v11 =	vadd.s32 v31, v12  }
0xa1: {  	v33 =	vsel vm5, $0x1, v1;
	v11 =	vadd.s32 v32, v11  }
0xa2: {  	v34 =	vsel vm6, $0x1, v1;
	v11 =	vadd.s32 v33, v11  }
0xa3: {  	v11 =	vadd.s32 v34, v11  }
0xa4: {  	v11 =	vshll.u32 v11, $0x3  }
0xa5: {  	v35 =	vperm.xlane v11, v0;
	_ =	sdelay $0x1  }
0xa6: {  	v12 =	vadd.s32 v2, v35;
	_ =	sdelay $0x2  }
0xa7: {  	s29 =	sadd.s32 $0x2, s29  }
0xa8: {  	s1 =	sand.u32 $0x6, s29;
	s4 =	sshll.u32 s29, $0x5;
	v36 =	vperm.xlane v11, v3  }
0xa9: {  	s3 =	sshrl.u32 s29, $0x3;
	s4 =	sand.u32 $0xFFFFFC00, s4;
	s15 =	sshll.u32 s1, $0xB;
	v12 =	vld.idx.msk [tilespmem:v12+s16+$0x0], $0xffff  }
0xaa: {  	s5 =	sand.u32 $0x3, s3;
	s3 =	sadd.s32 s4, s15;
	v13 =	vadd.s32 v2, v36  }
0xab: {  	s4 =	sshll.u32 s3, $0x1  }
0xac: {  	s14 =	sand.u32 $0x3FFFF800, s4;
	s4 =	sshll.u32 s28, $0x5  }
0xad: {  	s13 =	sadd.s32 s4, s31  }
0xae: {  	v37 =	vperm.xlane v11, v4;
	[tilespmem:s13+$0x0] =	vst v12  }
0xaf: {  	v12 =	vld.idx.msk [tilespmem:v13+s16+$0x0], $0xffff  }
0xb0: {  	v38 =	vadd.s32 v2, v37;
	_ =	sdelay $0x2  }
0xb1: {  	s31 =	sor.u32 s4, s30  }
0xb2: {  	v15 =	vperm.xlane v11, v5;
	[tilespmem:v10+s31+$0x10 ss:$0x1] =	vst.idx.msk $0xffff, v12  }
0xb3: {  	v12 =	vld.idx.msk [tilespmem:v38+s16+$0x0], $0xffff  }
0xb4: {  	v39 =	vadd.s32 v2, v15;
	_ =	sdelay $0x3  }
0xb5: {  	v16 =	vperm.xlane v11, v6;
	[tilespmem:s13+$0x100] =	vst v12  }
0xb6: {  	s22 =	sor.u32 s4, s26;
	v12 =	vld.idx.msk [tilespmem:v39+s16+$0x0], $0xffff  }
0xb7: {  	s21 =	sor.u32 $0x90, s22;
	v40 =	vadd.s32 v2, v16  }
0xb8: {  	s15 =	sadd.s32 $0x10080, s14;
	s17 =	sshll.u32 s21, $0x1  }
0xb9: {  	s10 =	sadd.s32 s23, s15;
	s21 =	sand.u32 $0x70, s21;
	s20 =	sand.u32 $0x7FFFF900, s17  }
0xba: {  	s31 =	smov.u32 s10;
	s10 =	sor.u32 s21, s20  }
0xbb: {  	v17 =	vperm.xlane v11, v7;
	[tilespmem:v10+s10+$0x10080 ss:$0x1] =	vst.idx.msk $0xffff, v12  }
0xbc: {  	v12 =	vld.idx.msk [tilespmem:v40+s16+$0x0], $0xffff  }
0xbd: {  	v41 =	vadd.s32 v2, v17;
	_ =	sdelay $0x1  }
0xbe: {  	s12 =	sor.u32 $0x110, s22  }
0xbf: {  	s26 =	smov.u32 s3;
	s7 =	sshll.u32 s12, $0x1  }
0xc0: {  	s11 =	sor.u32 $0x190, s22;
	s3 =	sor.u32 $0x310, s22;
	s8 =	sand.u32 $0x7FFFFA00, s7;
	v18 =	vperm.xlane v11, v8;
	[tilespmem:s13+$0x200] =	vst v12  }
0xc1: {  	s17 =	sor.u32 $0x210, s22;
	s7 =	sor.u32 $0x290, s22;
	s22 =	sor.u32 $0x390, s22;
	v12 =	vld.idx.msk [tilespmem:v41+s16+$0x0], $0xffff  }
0xc2: {  	s30 =	smov.u32 s15;
	s15 =	sshll.u32 s22, $0x1;
	v42 =	vadd.s32 v2, v18  }
0xc3: {  	s22 =	sand.u32 $0x70, s22;
	s15 =	sand.u32 $0x7FFFFF00, s15  }
0xc4: {  	s15 =	sor.u32 s22, s15;
	s22 =	sand.u32 $0x70, s12  }
0xc5: {  	s8 =	sor.u32 s22, s8  }
0xc6: {  	v11 =	vperm.xlane v11, v9;
	[tilespmem:v10+s8+$0x10080 ss:$0x1] =	vst.idx.msk $0xffff, v12  }
0xc7: {  	v12 =	vld.idx.msk [tilespmem:v42+s16+$0x0], $0xffff  }
0xc8: {  	v11 =	vadd.s32 v2, v11;
	_ =	sdelay $0x3  }
0xc9: {  	[tilespmem:s13+$0x300] =	vst v12  }
0xca: {  	v11 =	vld.idx.msk [tilespmem:v11+s16+$0x0], $0xffff;
	_ =	sdelay $0x1  }
0xcb: {  	s9 =	sshll.u32 s11, $0x1  }
0xcc: {  	s11 =	sand.u32 $0x70, s11;
	s19 =	sand.u32 $0x7FFFFB00, s9  }
0xcd: {  	s8 =	sor.u32 s11, s19  }
0xce: {  	[tilespmem:v10+s8+$0x10080 ss:$0x1] =	vst.idx.msk $0xffff, v11  }
0xcf: {  	v11 =	vld [tilespmem:s6+$0x10];
	_ =	sdelay $0x4  }
0xd0: {  	vm7 =	vge.f32 v11, $-1.000000000e+03;
	vm8 =	vge.f32 v11, $-7.500000000e+01;
	vm9 =	vge.f32 v11, $4.000000000e+01  }
0xd1: {  	vm10 =	vge.f32 v11, $1.500000000e+01;
	v43 =	vsel vm7, $0x1, v1;
	v44 =	vsel vm8, $0x1, v1  }
0xd2: {  	vm11 =	vge.f32 v11, $0.0e+00;
	v45 =	vsel vm10, $0x1, v1;
	v12 =	vadd.s32 v44, v43  }
0xd3: {  	vm12 =	vge.f32 v11, $2.500000000e+01;
	v46 =	vsel vm11, $0x1, v1;
	v12 =	vadd.s32 v45, v12  }
0xd4: {  	vm13 =	vge.f32 v11, $2.000000000e+02;
	v47 =	vsel vm9, $0x1, v1;
	v12 =	vadd.s32 v46, v12  }
0xd5: {  	vm14 =	vge.f32 v11, $5.000000000e+01;
	v48 =	vsel vm12, $0x1, v1;
	v12 =	vadd.s32 v47, v12  }
0xd6: {  	vm15 =	vge.f32 v11, $1.000000000e+03;
	v49 =	vsel vm13, $0x1, v1;
	v11 =	vadd.s32 v48, v12  }
0xd7: {  	v50 =	vsel vm14, $0x1, v1;
	v11 =	vadd.s32 v49, v11  }
0xd8: {  	v51 =	vsel vm15, $0x1, v1;
	v11 =	vadd.s32 v50, v11  }
0xd9: {  	v11 =	vadd.s32 v51, v11  }
0xda: {  	v11 =	vshll.u32 v11, $0x3  }
0xdb: {  	v52 =	vperm.xlane v11, v0;
	_ =	sdelay $0x1  }
0xdc: {  	v12 =	vadd.s32 v2, v52;
	_ =	sdelay $0x3  }
0xdd: {  	v53 =	vperm.xlane v11, v3  }
0xde: {  	v12 =	vld.idx.msk [tilespmem:v12+s16+$0x0], $0xffff  }
0xdf: {  	v13 =	vadd.s32 v2, v53;
	_ =	sdelay $0x1  }
0xe0: {  	s12 =	sor.u32 s23, s25  }
0xe1: {  	s4 =	sadd.s32 s4, s12  }
0xe2: {  	v54 =	vperm.xlane v11, v4;
	[tilespmem:s4+$0x10480] =	vst v12  }
0xe3: {  	v12 =	vld.idx.msk [tilespmem:v13+s16+$0x0], $0xffff  }
0xe4: {  	v59 =	vadd.s32 v2, v54  }
0xe5: {  	s18 =	sshll.u32 s17, $0x1  }
0xe6: {  	s18 =	sand.u32 $0x7FFFFC00, s18;
	s19 =	sand.u32 $0x70, s17  }
0xe7: {  	s4 =	sor.u32 s19, s18  }
0xe8: {  	v55 =	vperm.xlane v11, v5;
	[tilespmem:v10+s4+$0x10080 ss:$0x1] =	vst.idx.msk $0xffff, v12  }
0xe9: {  	v12 =	vld.idx.msk [tilespmem:v59+s16+$0x0], $0xffff  }
0xea: {  	v60 =	vadd.s32 v2, v55;
	_ =	sdelay $0x3  }
0xeb: {  	v56 =	vperm.xlane v11, v6;
	[tilespmem:s13+$0x500] =	vst v12  }
0xec: {  	v12 =	vld.idx.msk [tilespmem:v60+s16+$0x0], $0xffff  }
0xed: {  	v61 =	vadd.s32 v2, v56  }
0xee: {  	s9 =	sshll.u32 s7, $0x1  }
0xef: {  	s9 =	sand.u32 $0x7FFFFD00, s9;
	s20 =	sand.u32 $0x70, s7  }
0xf0: {  	s4 =	sor.u32 s20, s9  }
0xf1: {  	v57 =	vperm.xlane v11, v7;
	[tilespmem:v10+s4+$0x10080 ss:$0x1] =	vst.idx.msk $0xffff, v12  }
0xf2: {  	v12 =	vld.idx.msk [tilespmem:v61+s16+$0x0], $0xffff  }
0xf3: {  	v62 =	vadd.s32 v2, v57;
	_ =	sdelay $0x3  }
0xf4: {  	v58 =	vperm.xlane v11, v8;
	[tilespmem:s13+$0x600] =	vst v12  }
0xf5: {  	v12 =	vld.idx.msk [tilespmem:v62+s16+$0x0], $0xffff  }
0xf6: {  	v63 =	vadd.s32 v2, v58  }
0xf7: {  	s28 =	smov.u32 s5;
	s5 =	sshll.u32 s3, $0x1  }
0xf8: {  	s3 =	sand.u32 $0x70, s3;
	s5 =	sand.u32 $0x7FFFFE00, s5  }
0xf9: {  	s3 =	sor.u32 s3, s5  }
0xfa: {  	v11 =	vperm.xlane v11, v9;
	[tilespmem:v10+s3+$0x10080 ss:$0x1] =	vst.idx.msk $0xffff, v12  }
0xfb: {  	v12 =	vld.idx.msk [tilespmem:v63+s16+$0x0], $0xffff  }
0xfc: {  	p1 =	slt.u32 s29, $0x7E;
	v11 =	vadd.s32 v2, v11  }
.Ltmp0:
0xfd: {  	_ = 	snop;
	(pc) =	sbr.rel @p1 .LBB2_3-.Ltmp0, $4  }
0xfe: {  	s0 =	sshll.u32 s29, $0x9  }
0xff: {  	s0 =	sand.u32 $0x3FFFC000, s0;
	s21 =	rddreg [dreg:$0x3]  }
0x100: {  	s22 =	sshll.u32 s28, $0x7;
	s0 =	sadd.s32 s0, s21;
	[tilespmem:s13+$0x700] =	vst v12  }
0x101: {  	s1 =	sshll.u32 s1, $0x4;
	s25 =	smov.u32 s14;
	s0 =	sadd.s32 s22, s0;
	v11 =	vld.idx.msk [tilespmem:v11+s16+$0x0], $0xffff  }
0x102: {  	_ =	sdelay $0x3  }
0x103: {  	s3 =	sadd.s32 s1, s0;
	[tilespmem:v10+s15+$0x10080 ss:$0x1] =	vst.idx.msk $0xffff, v11  }
0x104: {  	v11 =	vld [tilespmem:s3+$0x0];
	_ =	sdelay $0x4  }
0x105: {  	vm0 =	vge.f32 v11, $-1.000000000e+03;
	vm1 =	vge.f32 v11, $-7.500000000e+01  }
0x106: {  	vm2 =	vge.f32 v11, $1.500000000e+01;
	v12 =	vsel vm0, $0x1, v1;
	v13 =	vsel vm1, $0x1, v1  }
0x107: {  	vm13 =	vge.f32 v11, $0.0e+00;
	v14 =	vsel vm2, $0x1, v1;
	v12 =	vadd.s32 v13, v12  }
0x108: {  	vm14 =	vge.f32 v11, $4.000000000e+01;
	v27 =	vsel vm13, $0x1, v1;
	v12 =	vadd.s32 v14, v12  }
0x109: {  	vm15 =	vge.f32 v11, $2.500000000e+01;
	v28 =	vsel vm14, $0x1, v1;
	v12 =	vadd.s32 v27, v12  }
0x10a: {  	vm4 =	vge.f32 v11, $2.000000000e+02;
	v29 =	vsel vm15, $0x1, v1;
	v12 =	vadd.s32 v28, v12  }
0x10b: {  	vm5 =	vge.f32 v11, $5.000000000e+01;
	v30 =	vsel vm4, $0x1, v1;
	v12 =	vadd.s32 v29, v12  }
0x10c: {  	vm6 =	vge.f32 v11, $1.000000000e+03;
	v11 =	vsel vm5, $0x1, v1;
	v12 =	vadd.s32 v30, v12  }
0x10d: {  	v31 =	vsel vm6, $0x1, v1;
	v11 =	vadd.s32 v11, v12  }
0x10e: {  	v11 =	vadd.s32 v31, v11  }
0x10f: {  	v11 =	vshll.u32 v11, $0x3  }
0x110: {  	v32 =	vperm.xlane v11, v0;
	_ =	sdelay $0x1  }
0x111: {  	v12 =	vadd.s32 v2, v32;
	_ =	sdelay $0x3  }
0x112: {  	v33 =	vperm.xlane v11, v3  }
0x113: {  	v12 =	vld.idx.msk [tilespmem:v12+s16+$0x0], $0xffff  }
0x114: {  	v13 =	vadd.s32 v2, v33;
	_ =	sdelay $0x1  }
0x115: {  	s4 =	sshll.u32 s28, $0x5  }
0x116: {  	s9 =	sadd.s32 s4, s31  }
0x117: {  	v34 =	vperm.xlane v11, v4;
	[tilespmem:s9+$0x0] =	vst v12  }
0x118: {  	v12 =	vld.idx.msk [tilespmem:v13+s16+$0x0], $0xffff  }
0x119: {  	v35 =	vadd.s32 v2, v34;
	_ =	sdelay $0x2  }
0x11a: {  	s10 =	sor.u32 s4, s30  }
0x11b: {  	v36 =	vperm.xlane v11, v5;
	[tilespmem:v10+s10+$0x10 ss:$0x1] =	vst.idx.msk $0xffff, v12  }
0x11c: {  	v12 =	vld.idx.msk [tilespmem:v35+s16+$0x0], $0xffff  }
0x11d: {  	v37 =	vadd.s32 v2, v36;
	_ =	sdelay $0x3  }
0x11e: {  	v38 =	vperm.xlane v11, v6;
	[tilespmem:s9+$0x100] =	vst v12  }
0x11f: {  	s11 =	sor.u32 s4, s26;
	v12 =	vld.idx.msk [tilespmem:v37+s16+$0x0], $0xffff  }
0x120: {  	s5 =	sor.u32 $0x90, s11;
	v39 =	vadd.s32 v2, v38  }
0x121: {  	s6 =	sshll.u32 s5, $0x1  }
0x122: {  	s5 =	sand.u32 $0x70, s5;
	s6 =	sand.u32 $0x7FFFF900, s6  }
0x123: {  	s5 =	sor.u32 s5, s6  }
0x124: {  	v40 =	vperm.xlane v11, v7;
	[tilespmem:v10+s5+$0x10080 ss:$0x1] =	vst.idx.msk $0xffff, v12  }
0x125: {  	v12 =	vld.idx.msk [tilespmem:v39+s16+$0x0], $0xffff  }
0x126: {  	v41 =	vadd.s32 v2, v40;
	_ =	sdelay $0x3  }
0x127: {  	v42 =	vperm.xlane v11, v8;
	[tilespmem:s9+$0x200] =	vst v12  }
0x128: {  	v12 =	vld.idx.msk [tilespmem:v41+s16+$0x0], $0xffff  }
0x129: {  	s12 =	sor.u32 $0x110, s11;
	v43 =	vadd.s32 v2, v42  }
0x12a: {  	s13 =	sshll.u32 s12, $0x1  }
0x12b: {  	s6 =	sand.u32 $0x7FFFFA00, s13;
	s5 =	sand.u32 $0x70, s12  }
0x12c: {  	s5 =	sor.u32 s5, s6  }
0x12d: {  	v11 =	vperm.xlane v11, v9;
	[tilespmem:v10+s5+$0x10080 ss:$0x1] =	vst.idx.msk $0xffff, v12  }
0x12e: {  	v12 =	vld.idx.msk [tilespmem:v43+s16+$0x0], $0xffff  }
0x12f: {  	v11 =	vadd.s32 v2, v11;
	_ =	sdelay $0x3  }
0x130: {  	[tilespmem:s9+$0x300] =	vst v12  }
0x131: {  	v11 =	vld.idx.msk [tilespmem:v11+s16+$0x0], $0xffff  }
0x132: {  	s14 =	sor.u32 $0x190, s11  }
0x133: {  	s15 =	sshll.u32 s14, $0x1  }
0x134: {  	s6 =	sand.u32 $0x7FFFFB00, s15;
	s5 =	sand.u32 $0x70, s14  }
0x135: {  	s5 =	sor.u32 s5, s6  }
0x136: {  	[tilespmem:v10+s5+$0x10080 ss:$0x1] =	vst.idx.msk $0xffff, v11  }
0x137: {  	v11 =	vld [tilespmem:s3+$0x10];
	_ =	sdelay $0x4  }
0x138: {  	vm7 =	vge.f32 v11, $-1.000000000e+03;
	vm8 =	vge.f32 v11, $-7.500000000e+01  }
0x139: {  	vm9 =	vge.f32 v11, $1.500000000e+01;
	v44 =	vsel vm7, $0x1, v1;
	v45 =	vsel vm8, $0x1, v1  }
0x13a: {  	vm10 =	vge.f32 v11, $0.0e+00;
	v46 =	vsel vm9, $0x1, v1;
	v12 =	vadd.s32 v45, v44  }
0x13b: {  	vm11 =	vge.f32 v11, $4.000000000e+01;
	v47 =	vsel vm10, $0x1, v1;
	v12 =	vadd.s32 v46, v12  }
0x13c: {  	vm12 =	vge.f32 v11, $2.500000000e+01;
	v48 =	vsel vm11, $0x1, v1;
	v12 =	vadd.s32 v47, v12  }
0x13d: {  	vm13 =	vge.f32 v11, $2.000000000e+02;
	v49 =	vsel vm12, $0x1, v1;
	v12 =	vadd.s32 v48, v12  }
0x13e: {  	vm14 =	vge.f32 v11, $5.000000000e+01;
	v50 =	vsel vm13, $0x1, v1;
	v12 =	vadd.s32 v49, v12  }
0x13f: {  	vm15 =	vge.f32 v11, $1.000000000e+03;
	v11 =	vsel vm14, $0x1, v1;
	v12 =	vadd.s32 v50, v12  }
0x140: {  	v51 =	vsel vm15, $0x1, v1;
	v11 =	vadd.s32 v11, v12  }
0x141: {  	v11 =	vadd.s32 v51, v11  }
0x142: {  	v11 =	vshll.u32 v11, $0x3  }
0x143: {  	v52 =	vperm.xlane v11, v0;
	_ =	sdelay $0x1  }
0x144: {  	v12 =	vadd.s32 v2, v52;
	_ =	sdelay $0x3  }
0x145: {  	v53 =	vperm.xlane v11, v3  }
0x146: {  	v12 =	vld.idx.msk [tilespmem:v12+s16+$0x0], $0xffff  }
0x147: {  	v13 =	vadd.s32 v2, v53;
	_ =	sdelay $0x1  }
0x148: {  	s17 =	sor.u32 s23, s25  }
0x149: {  	s3 =	sadd.s32 s4, s17  }
0x14a: {  	v54 =	vperm.xlane v11, v4;
	[tilespmem:s3+$0x10480] =	vst v12  }
0x14b: {  	v12 =	vld.idx.msk [tilespmem:v13+s16+$0x0], $0xffff  }
0x14c: {  	s18 =	sor.u32 $0x210, s11;
	v55 =	vadd.s32 v2, v54  }
0x14d: {  	s19 =	sshll.u32 s18, $0x1  }
0x14e: {  	s4 =	sand.u32 $0x7FFFFC00, s19;
	s3 =	sand.u32 $0x70, s18  }
0x14f: {  	s3 =	sor.u32 s3, s4  }
0x150: {  	v56 =	vperm.xlane v11, v5;
	[tilespmem:v10+s3+$0x10080 ss:$0x1] =	vst.idx.msk $0xffff, v12  }
0x151: {  	v12 =	vld.idx.msk [tilespmem:v55+s16+$0x0], $0xffff  }
0x152: {  	v57 =	vadd.s32 v2, v56;
	_ =	sdelay $0x3  }
0x153: {  	v58 =	vperm.xlane v11, v6;
	[tilespmem:s9+$0x500] =	vst v12  }
0x154: {  	v12 =	vld.idx.msk [tilespmem:v57+s16+$0x0], $0xffff  }
0x155: {  	s20 =	sor.u32 $0x290, s11;
	v59 =	vadd.s32 v2, v58  }
0x156: {  	s21 =	sshll.u32 s20, $0x1  }
0x157: {  	s4 =	sand.u32 $0x7FFFFD00, s21;
	s3 =	sand.u32 $0x70, s20  }
0x158: {  	s3 =	sor.u32 s3, s4  }
0x159: {  	v60 =	vperm.xlane v11, v7;
	[tilespmem:v10+s3+$0x10080 ss:$0x1] =	vst.idx.msk $0xffff, v12  }
0x15a: {  	v12 =	vld.idx.msk [tilespmem:v59+s16+$0x0], $0xffff  }
0x15b: {  	v61 =	vadd.s32 v2, v60;
	_ =	sdelay $0x3  }
0x15c: {  	v62 =	vperm.xlane v11, v8;
	[tilespmem:s9+$0x600] =	vst v12  }
0x15d: {  	v12 =	vld.idx.msk [tilespmem:v61+s16+$0x0], $0xffff  }
0x15e: {  	s22 =	sor.u32 $0x310, s11;
	v63 =	vadd.s32 v2, v62  }
0x15f: {  	s23 =	sshll.u32 s22, $0x1  }
0x160: {  	s4 =	sand.u32 $0x7FFFFE00, s23;
	s3 =	sand.u32 $0x70, s22  }
0x161: {  	s3 =	sor.u32 s3, s4  }
0x162: {  	v11 =	vperm.xlane v11, v9;
	[tilespmem:v10+s3+$0x10080 ss:$0x1] =	vst.idx.msk $0xffff, v12  }
0x163: {  	v12 =	vld.idx.msk [tilespmem:v63+s16+$0x0], $0xffff  }
0x164: {  	v11 =	vadd.s32 v2, v11;
	_ =	sdelay $0x2  }
0x165: {  	s29 =	rddreg [dreg:$0x9]  }
0x166: {  	s26 =	rddreg [dreg:$0xe];
	[tilespmem:s9+$0x700] =	vst v12  }
0x167: {  	s31 =	rddreg [dreg:$0xd];
	s25 =	sor.u32 $0x390, s11;
	v11 =	vld.idx.msk [tilespmem:v11+s16+$0x0], $0xffff  }
0x168: {  	s1 =	sshll.u32 s25, $0x1;
	s6 =	rddreg [dreg:$0xc]  }
0x169: {  	s0 =	sand.u32 $0x70, s25;
	s28 =	sshll.u32 s6, $0x4;
	s3 =	sand.u32 $0xC000, s26  }
0x16a: {  	s1 =	sand.u32 $0x7FFFFF00, s1;
	s4 =	sand.u32 $0x70, s28;
	s3 =	sadd.s32 s3, s29  }
0x16b: {  	s30 =	sor.u32 s0, s1;
	s0 =	sadd.s32 $0x1, s31;
	s1 =	sadd.s32 s4, s3  }
0x16c: {  	s3 =	simm.s32 $0x80;
	s4 =	sadd.s32 $0x100, s24;
	s5 =	sadd.s32 $0x0, s1;
	[tilespmem:v10+s30+$0x10080 ss:$0x1] =	vst.idx.msk $0xffff, v11  }
.LBB2_5:
0x16d: {  	[hbm4b:s5+s2] =	stream.linear.scatter [tilespmem:s24], [sflag:s0], $0x80, $0x38;
	[tilespmem:$0x18080] =	vst v63  }
0x16e: {  	s5 =	smov.u32 s3;
	s24 =	smov.u32 s4;
	p1 =	sne.s32 s3, $0x3F80  }
.Ltmp1:
0x16f: {  	s3 =	sadd.s32 $0x80, s3;
	(pc) =	sbr.rel @p1 .LBB2_5-.Ltmp1, $2  }
0x170: {  	_ =	sdelay $0x2  }
0x171: {  	s4 =	sadd.s32 $0x100, s4;
	s5 =	sadd.s32 s5, s1  }
0x172: {  	s6 =	sadd.s32 $0x1, s6  }
0x173: {  	p1 =	sne.s32 s6, $0x20  }
.Ltmp2:
0x174: {  	_ = 	snop;
	(pc) =	sbr.rel @p1 .LBB2_2-.Ltmp2, $3  }
0x175: {  	_ =	sdelay $0x1  }
0x176: {  	[hbm4b:s5+s2] =	stream.linear.scatter [tilespmem:s24], [sflag:s0], $0x80, $0x38;
	[tilespmem:$0x18080] =	vst v63  }
0x177: {  	p0 =	por !p0, !p0  }
0x178: {  	s0 =	simm.s32 $0x1  }
0x179: {  	_ =	swait.ge [sflag:s0], $0x4000  }
0x17a: {  	[sflag:s0] =	ssyncset.done $0x0  }
0x17b: {  	s1 =	simm.s32 $0x2;
	[sflag:s0] =	ssyncadd.s32 $0xFFFFC000  }
0x17c: {  	_ =	swait.ge [sflag:s1], $0x4000  }
0x17d: {  	s3 =	rddreg [dreg:$0xb]  }
0x17e: {  	s31 =	rddreg [dreg:$0xa];
	s3 =	sadd.s32 $0x1, s3  }
0x17f: {  	p0 =	sne.s32 s3, s31  }
.Ltmp3:
0x180: {  	_ = 	snop;
	(pc) =	sbr.rel @p0 .LBB2_1-.Ltmp3, $3  }
0x181: {  	_ =	sdelay $0x1  }
0x182: {  	[sflag:s1] =	ssyncset.done $0x0  }
0x183: {  	[sflag:s1] =	ssyncadd.s32 $0xFFFFC000  }
0x184: {  	_ =	sfence.sel $0x180000  }
0x185: {  	[bflag:$0x0] =	sbarrier.arrive $0xFFFF  }
0x186: {  	_ =	strace $0x90000047  }
0x187: {  	s0 =	stileid.u32;
	[bflag:$0x2] =	sbarrier.arrive $0xFFFF  }
0x188: {  	p0 =	sne.s32 s0, $0x0;
	s0 =	rddreg [dreg:$0x2]  }
0x189: {  	s0 =	sadd.s32 @!p0 $0x100000, s0  }
0x18a: {  	[sflag:s0] =	ssyncadd.tile.s32 @!p0 $0x1;
	_ =	shalt  }
.Lfunc_end2:
_tile_overlayer_lowered:
.L_overlay_start_2:
0x18b: {  	(tag) =	ssettag $0x2  }
0x18c: {  	s0 =	rddreg [dreg:$0x0];
	s2 =	stileid.u32  }
0x18d: {  	s1 =	rddreg [dreg:$0x1];
	p0 =	sne.s32 s2, $0x0  }
0x18e: {  	s3 =	rddreg [dreg:$0x2];
	[bflag:$0x3] =	sbarrier.arrive $0xFFFF;
	s2 =	simm.s32 @!p0 $0x1C03  }
0x18f: {  	[timem:s3], [sflag:s2] =	dma.local @!p0 [hbm:s0], s1  }
0x190: {  	s0 =	simm.s32 @!p0 $0x3  }
0x191: {  	_ =	swait.ge @!p0 [sflag:s0], s1  }
0x192: {  	s1 =	ssub.s32 @!p0 $0x0, s1;
	[sflag:s0] =	ssyncset.done @!p0 $0x0  }
0x193: {  	[sflag:s0] =	ssyncadd.s32 @!p0 s1  }
0x194: {  	[bflag:$0x3] =	sbarrier.arrive $0xFFFF  }
0x195: {  	_ =	shalt  }

// kernel: sparse-core-data-format-call.cloned.1.call-start
scs
called_computation_lowered:
.L_overlay_start_0:
0x0: {  	s2 =	sld [smem:$0x3FD9]  }
0x1: {  	s3 =	sld [smem:$0x3FFE];
	_ =	sdelay $0x1  }
0x2: {  	s1 =	srdreg.scid  }
0x3: {  	s0 =	sand.u32 $0x1, s1  }
0x4: {  	s18 =	sshll.u32 s0, $0xA;
	s2 =	sadd.s32 s3, s2  }
0x5: {  	s2 =	sadd.s32 s2, s18  }
0x6: {  	[smem:$0x3FC6] =	sst s2  }
0x7: {  	_ = 	snop  }
0x8: {  	s2 =	sld [smem:$0x3FD0];
	(tm) =	ssettm $0x1  }
0x9: {  	s19 =	sld [smem:$0x3FFB];
	_ =	sdelay $0x3  }
0xa: {  	_ =	strace s19  }
0xb: {  	s3 =	sld [smem:$0x3FFC];
	_ =	sdelay $0x3  }
0xc: {  	_ =	strace s3  }
0xd: {  	s3 =	sld [smem:$0x3FFD];
	_ =	sdelay $0x3  }
0xe: {  	_ =	strace s3  }
0xf: {  	_ =	strace $0x8FFFFFFF  }
0x10: {  	s20 =	sld [smem:$0x3FDB];
	_ =	sdelay $0x1  }
0x11: {  	s4 =	simm.s32 $_scs_section_size  }
0x12: {  	s5 =	simm.s32 $_size__tile_overlayer_lowered;
	s6 =	simm.s32 $_tile_overlayer_lowered  }
0x13: {  	s23 =	simm.s32 $0x1BFF;
	s22 =	sshll.u32 s6, $0x1;
	s3 =	sadd.s32 s4, s20  }
0x14: {  	s7 =	simm.s32 $0x0;
	s21 =	sshll.u32 s5, $0x1;
	s5 =	sadd.s32 s22, s3  }
0x15: {  	[timem:s7], [sflag:s23] =	dma.local [hbm:s5], s21  }
0x16: {  	_ =	swait.ge [sflag:s23], s21  }
0x17: {  	s4 =	ssub.s32 $0x0, s21;
	[sflag:s23] =	ssyncset.done $0x0  }
0x18: {  	[sflag:s23] =	ssyncadd.s32 s4;
	_ =	sdelay $0x1  }
0x19: {  	s24 =	simm.s32 $0x1B8B  }
0x1a: {  	_ =	swait.ge [sflag:s24], $0x1  }
0x1b: {  	[sflag:s24] =	ssyncset.done $0x0  }
0x1c: {  	s26 =	simm.s32 $0x1B8E;
	s25 =	sld [smem:$0x3FFE];
	[sflag:s24] =	ssyncadd.s32 $0xFFFFFFFF  }
0x1d: {  	s27 =	simm.s32 $execute0_lowered;
	[smem:$0x3FD2] =	sst s26  }
0x1e: {  	s5 =	sshll.u32 s27, $0x1;
	_ =	strace $0x80000049;
	[dreg:$0x1] =	wrdreg $0xFFFFFFFF  }
0x1f: {  	s28 =	simm.s32 $_size_execute0_lowered;
	s3 =	sadd.s32 s3, s5;
	[dreg:$0x0] =	wrdreg $0x0  }
0x20: {  	s5 =	sshll.u32 s28, $0x1;
	[dreg:$0x2] =	wrdreg s3  }
0x21: {  	[dreg:$0x3] =	wrdreg s5  }
0x22: {  	[dreg:$0x4] =	wrdreg $0xC0  }
0x23: {  	_ =	task [dreg:s7], $0x5FFFF  }
0x24: {  	[dreg:$0x1] =	wrdreg $0xFFFFFFFF  }
0x25: {  	[dreg:$0x0] =	wrdreg $0x60  }
0x26: {  	[dreg:$0x2] =	wrdreg s25  }
0x27: {  	[dreg:$0x3] =	wrdreg s2  }
0x28: {  	[dreg:$0x4] =	wrdreg $0x9  }
0x29: {  	_ =	task.clear_ibuf [dreg:s7], $0x5FFFF;
	_ =	strace $0x90000049  }
0x2a: {  	s29 =	simm.s32 $0x9;
	_ =	strace $0x8000004B  }
0x2b: {  	_ =	swait.ge [sflag:s29], $0x1  }
0x2c: {  	[sflag:s29] =	ssyncadd.s32 $0xFFFFFFFF  }
0x2d: {  	_ =	strace $0x9000004B  }
0x2e: {  	_ =	sfence  }
0x2f: {  	s30 =	sld [smem:$0x0];
	_ =	sdelay $0x2  }
0x30: {  	s31 =	sshll.u32 s1, $0xD;
	s1 =	sshrl.u32 s1, $0x2  }
0x31: {  	s3 =	sand.u32 $0x4000, s31;
	s1 =	sadd.s32 s1, s30  }
0x32: {  	s0 =	sor.u32 s3, s0;
	s1 =	sshll.u32 s1, $0x11  }
0x33: {  	s0 =	sor.u32 s1, s0  }
0x34: {  	s0 =	sadd.s32 $0x8F2B, s0  }
0x35: {  	[sflag:s0] =	ssyncadd.remote.s32 $0x1  }
0x36: {  	_ =	sfence.sel $0xFFFF  }
0x37: {  	[dreg:$0x0] =	wrdreg $0xFFFFFFFF;
	(pc) =	sbr.abs _section_cstart, $3  }
0x38: {  	[dreg:$0x1] =	wrdreg $0xFFFFFFFF  }
0x39: {  	_ =	task.clear_ibuf [dreg:s7], $0x2FFFF;
	_ =	strace $0x9FFFFFFF  }
0x3a: {  	(tm) =	ssettm $0x7FFFFFFF  }
0x3b: {  	_ =	shalt  }
tec
execute0_lowered:
.L_overlay_start_1:
0x0: {  	(tag) =	ssettag $0x1  }
0x1: {  	s1 =	rddreg [dreg:$0x0]  }
0x2: {  	s2 =	rddreg [dreg:$0x1]  }
0x3: {  	s0 =	rddreg [dreg:$0x2];
	_ =	strace $0x8000004A;
	s4 =	srdreg.scid  }
0x4: {  	s6 =	simm.s32 $0x2;
	s11 =	simm.s32 $0x0;
	p0 =	por $0x0, $0x0  }
.Ltmp0:
0x5: {  	s7 =	simm.s32 $0x4000;
	s12 =	simm.s32 $0x0;
	(pc) =	sbr.rel .LBB1_1-.Ltmp0, $4  }
0x6: {  	s9 =	simm.s32 $0x0;
	s3 =	sadd.s32 $0xA00, s1;
	s5 =	sshll.u32 s4, $0x4  }
0x7: {  	s1 =	stileid.u32;
	s4 =	simm.s32 $0x1;
	s5 =	sand.u32 $0x10, s5  }
0x8: {  	s8 =	simm.s32 $0x0;
	[sflag:s4] =	ssyncpa.u1 $0x0;
	s5 =	sor.u32 s1, s5  }
0x9: {  	[sflag:s6] =	ssyncpa.u1 $0x0;
	s6 =	simm.s32 $0x800;
	s10 =	smov.u32 s5  }
.LBB1_7:
0xa: {  	s13 =	sadd.s32 $0x10, s9  }
0xb: {  	s11 =	sadd.s32 $0x20, s10;
	s15 =	smov.u32 s10;
	p2 =	sgt.s32 s13, $0x7F  }
0xc: {  	p1 =	slt.u32 s8, $0x2;
	s15 =	smov.u32 @p2 s11  }
0xd: {  	s8 =	sadd.s32 $0x1, s8;
	s13 =	simm.s32 @p2 $0x0;
	p2 =	sgt.s32 s15, $0x7F  }
0xe: {  	s15 =	smov.u32 @p2 s5;
	p2 =	sne.s32 s8, $0x22  }
.Ltmp1:
0xf: {  	_ = 	snop;
	(pc) =	sbr.rel @!p2 .LBB1_8-.Ltmp1, $4  }
0x10: {  	s14 =	simm.s32 @!p1 $0x2  }
0x11: {  	s12 =	smov.u32 s10;
	_ =	swait.ge @!p1 [sflag:s14], $0x4000  }
0x12: {  	p0 =	por !p0, !p0;
	s11 =	smov.u32 s9;
	[sflag:s14] =	ssyncset.done @!p1 $0x0  }
0x13: {  	s9 =	smov.u32 s13;
	[sflag:s14] =	ssyncadd.s32 @!p1 $0xFFFFC000;
	s10 =	smov.u32 s15  }
.LBB1_1:
0x14: {  	p1 =	sgt.u32 s8, $0x1F  }
0x15: {  	s13 =	sxor.u32 @!p1 $0xFFFFFFFF, s8;
	s14 =	sshll.u32 @!p1 s10, $0xE  }
0x16: {  	s15 =	sshll.u32 @!p1 s9, $0x7;
	s13 =	sshll.u32 @!p1 s13, $0xE;
	s14 =	sadd.s32 @!p1 s3, s14  }
0x17: {  	s13 =	sand.u32 @!p1 $0x4000, s13;
	s14 =	sadd.s32 @!p1 s15, s14;
	s15 =	simm.s32 @!p1 $0x0  }
0x18: {  	[tilespmem:s13], [sflag:$0x1] =	stream.linear.gather @!p1 [hbm4b:s14+s15], $0x4000, $0x38;
	[tilespmem:$0x10000] =	vst v63  }
0x19: {  	p1 =	seq.s32 s8, $0x0  }
0x1a: {  	p2 =	seq.s32 @!p1 s8, $0x21  }
0x1b: {  	p1 =	por p1, p2  }
.Ltmp2:
0x1c: {  	_ = 	snop;
	(pc) =	sbr.rel @p1 .LBB1_7-.Ltmp2, $1  }
0x1d: {  	_ =	sdelay $0x3  }
0x1e: {  	s13 =	simm.s32 $0x1;
	_ =	swait.ge [sflag:s4], $0x4000;
	s16 =	sshll.u32 s8, $0xE  }
0x1f: {  	s13 =	simm.s32 @!p0 $0x0;
	[sflag:s4] =	ssyncset.done $0x0;
	s31 =	sand.u32 $0x4000, s16  }
0x20: {  	s16 =	simm.s32 $0x0;
	s14 =	sshll.u32 s13, $0xE;
	[sflag:s4] =	ssyncadd.s32 $0xFFFFC000  }
0x21: {  	s13 =	sor.u32 $0x8040, s14;
	s15 =	sor.u32 $0x40, s14;
	s14 =	sor.u32 $0x8000, s31  }
.LBB1_3:
0x22: {  	v0 =	vmov s15;
	_ =	sdelay $0x3  }
0x23: {  	s18 =	simm.s32 $0x0  }
0x24: {  	v6 =	vld.idx.msk [tilespmem:v0+s18+$0x30 ss:$0x1], $0xffff  }
0x25: {  	v7 =	vld.idx.msk [tilespmem:v0+s18+$0xFFFFFFC0 ss:$0x1], $0xffff  }
0x26: {  	v5 =	vld.idx.msk [tilespmem:v0+s18+$0xFFFFFFD0 ss:$0x1], $0xffff  }
0x27: {  	v4 =	vld.idx.msk [tilespmem:v0+s18+$0xFFFFFFE0 ss:$0x1], $0xffff  }
0x28: {  	v3 =	vld.idx.msk [tilespmem:v0+s18+$0xFFFFFFF0 ss:$0x1], $0xffff  }
0x29: {  	v1 =	vld.idx.msk [tilespmem:v0+s18+$0x0 ss:$0x1], $0xffff  }
0x2a: {  	v2 =	vld.idx.msk [tilespmem:v0+s18+$0x10 ss:$0x1], $0xffff;
	[tilespmem:s13+$0x30] =	vst v6  }
0x2b: {  	s17 =	simm.s32 $0x80;
	s19 =	simm.s32 $0x400;
	[tilespmem:s13+$0xFFFFFFC0] =	vst v7;
	v6 =	vld.idx.msk [tilespmem:v0+s18+$0x20 ss:$0x1], $0xffff;
	s18 =	smov.u32 s13  }
.LBB1_4:
0x2c: {  	p1 =	sne.s32 s19, $0xE00;
	v7 =	vld.idx.msk [tilespmem:v0+s17+$0x30 ss:$0x1], $0xffff;
	[tilespmem:s18+$0xFFFFFFD0] =	vst v5  }
0x2d: {  	v8 =	vld.idx.msk [tilespmem:v0+s17+$0xFFFFFFC0 ss:$0x1], $0xffff;
	[tilespmem:s18+$0xFFFFFFE0] =	vst v4  }
0x2e: {  	v5 =	vld.idx.msk [tilespmem:v0+s17+$0xFFFFFFD0 ss:$0x1], $0xffff;
	[tilespmem:s18+$0xFFFFFFF0] =	vst v3  }
.Ltmp3:
0x2f: {  	v4 =	vld.idx.msk [tilespmem:v0+s17+$0xFFFFFFE0 ss:$0x1], $0xffff;
	[tilespmem:s18+$0x0] =	vst v1;
	(pc) =	sbr.rel @p1 .LBB1_4-.Ltmp3, $4  }
0x30: {  	v3 =	vld.idx.msk [tilespmem:v0+s17+$0xFFFFFFF0 ss:$0x1], $0xffff;
	[tilespmem:s18+$0x10] =	vst v2  }
0x31: {  	v1 =	vld.idx.msk [tilespmem:v0+s17+$0x0 ss:$0x1], $0xffff;
	[tilespmem:s18+$0x20] =	vst v6;
	s18 =	sadd.s32 $0x800, s18  }
0x32: {  	v2 =	vld.idx.msk [tilespmem:v0+s17+$0x10 ss:$0x1], $0xffff;
	[tilespmem:s18+$0x30] =	vst v7  }
0x33: {  	[tilespmem:s18+$0xFFFFFFC0] =	vst v8;
	v6 =	vld.idx.msk [tilespmem:v0+s17+$0x20 ss:$0x1], $0xffff;
	s17 =	sshra.s32 s19, $0x2;
	s19 =	sadd.s32 $0x200, s19  }
0x34: {  	_ =	sdelay $0x2  }
0x35: {  	[tilespmem:s18+$0xFFFFFFD0] =	vst v5  }
0x36: {  	v56 =	vld.idx.msk [tilespmem:v0+s17+$0x30 ss:$0x1], $0xffff;
	[tilespmem:s18+$0xFFFFFFE0] =	vst v4  }
0x37: {  	v57 =	vld.idx.msk [tilespmem:v0+s17+$0xFFFFFFC0 ss:$0x1], $0xffff;
	[tilespmem:s18+$0xFFFFFFF0] =	vst v3  }
0x38: {  	v58 =	vld.idx.msk [tilespmem:v0+s17+$0xFFFFFFD0 ss:$0x1], $0xffff;
	[tilespmem:s18+$0x0] =	vst v1  }
0x39: {  	v59 =	vld.idx.msk [tilespmem:v0+s17+$0xFFFFFFE0 ss:$0x1], $0xffff;
	[tilespmem:s18+$0x10] =	vst v2  }
0x3a: {  	v60 =	vld.idx.msk [tilespmem:v0+s17+$0xFFFFFFF0 ss:$0x1], $0xffff;
	s31 =	sadd.s32 $0x800, s18;
	[tilespmem:s18+$0x20] =	vst v6  }
0x3b: {  	v61 =	vld.idx.msk [tilespmem:v0+s17+$0x0 ss:$0x1], $0xffff;
	[tilespmem:s31+$0x30] =	vst v56  }
0x3c: {  	v62 =	vld.idx.msk [tilespmem:v0+s17+$0x10 ss:$0x1], $0xffff;
	s16 =	sadd.s32 $0x1, s16;
	[tilespmem:s31+$0xFFFFFFC0] =	vst v57  }
0x3d: {  	v63 =	vld.idx.msk [tilespmem:v0+s17+$0x20 ss:$0x1], $0xffff;
	p1 =	sne.s32 s16, $0x10;
	[tilespmem:s31+$0xFFFFFFD0] =	vst v58  }
.Ltmp4:
0x3e: {  	[tilespmem:s31+$0xFFFFFFE0] =	vst v59;
	(pc) =	sbr.rel @p1 .LBB1_3-.Ltmp4, $4  }
0x3f: {  	[tilespmem:s31+$0xFFFFFFF0] =	vst v60  }
0x40: {  	[tilespmem:s31+$0x0] =	vst v61  }
0x41: {  	[tilespmem:s31+$0x10] =	vst v62  }
0x42: {  	s13 =	sadd.s32 $0x80, s13;
	s15 =	sadd.s32 $0x400, s15;
	[tilespmem:s31+$0x20] =	vst v63  }
.Ltmp5:
0x43: {  	(pc) =	sbr.rel .LBB1_7-.Ltmp5, $4  }
0x44: {  	s12 =	sshll.u32 s12, $0xE;
	s11 =	sshll.u32 s11, $0x4  }
0x45: {  	s11 =	sand.u32 $0x7F0, s11;
	s12 =	sadd.s32 s2, s12  }
0x46: {  	s11 =	sadd.s32 s11, s12  }
0x47: {  	[hbm4b:s11+s6] =	stream.strided.scatter [tilespmem:s14], [sflag:$0x2], $0x4000, s7, s6, $0x38;
	[tilespmem:$0x10000] =	vst v63  }
.LBB1_8:
0x48: {  	_ =	sfence.sel $0x180000  }
0x49: {  	s2 =	simm.s32 $0x1;
	[bflag:$0x0] =	sbarrier.arrive $0xFFFF  }
0x4a: {  	s31 =	simm.s32 $0x2;
	[sflag:s2] =	ssyncpa.u1 $0x1  }
0x4b: {  	[sflag:s31] =	ssyncpa.u1 $0x1  }
0x4c: {  	p0 =	sne.s32 s1, $0x0;
	_ =	strace $0x9000004A  }
0x4d: {  	s0 =	sadd.s32 @!p0 $0x100000, s0;
	[bflag:$0x2] =	sbarrier.arrive $0xFFFF  }
0x4e: {  	[sflag:s0] =	ssyncadd.tile.s32 @!p0 $0x1;
	_ =	shalt  }
.Lfunc_end1:
_tile_overlayer_lowered:
.L_overlay_start_2:
0x4f: {  	(tag) =	ssettag $0x2  }
0x50: {  	s0 =	rddreg [dreg:$0x0];
	s2 =	stileid.u32  }
0x51: {  	s1 =	rddreg [dreg:$0x1];
	p0 =	sne.s32 s2, $0x0  }
0x52: {  	s3 =	rddreg [dreg:$0x2];
	[bflag:$0x3] =	sbarrier.arrive $0xFFFF;
	s2 =	simm.s32 @!p0 $0x1C01  }
0x53: {  	[timem:s3], [sflag:s2] =	dma.local @!p0 [hbm:s0], s1  }
0x54: {  	s0 =	simm.s32 @!p0 $0x1  }
0x55: {  	_ =	swait.ge @!p0 [sflag:s0], s1  }
0x56: {  	s1 =	ssub.s32 @!p0 $0x0, s1;
	[sflag:s0] =	ssyncset.done @!p0 $0x0  }
0x57: {  	[sflag:s0] =	ssyncadd.s32 @!p0 s1  }
0x58: {  	[bflag:$0x3] =	sbarrier.arrive $0xFFFF  }
0x59: {  	_ =	shalt  }

</sc_bundles>
